<compile_context>
chip_gen: v7x
topology: tpu7x:2x2x1
jax: 0.10.2.dev20260603
libtpu: 0.0.44.dev20260713+nightly
codegen_flags: <defaults>
</compile_context>

<pallas_src>
import functools

import jax
import jax.numpy as jnp
from jax import lax
from jax.experimental import pallas as pl
from jax.experimental.pallas import tpu as pltpu
from jax.experimental.pallas import tpu_sc as plsc

_NU = 10000
_NI = 10000
_E = 320000
_D = 128

_LANES = 128
_ROWS = _E // _LANES
_NC, _NS = 2, 16
_NW = _NC * _NS
_RPT = -(-(-(-_ROWS // _NW)) // 8) * 8

_ROWS_PAD = _RPT * _NW
_NPAD = 10240
_SEG = _NPAD // _NS

_EPT = _E // _NS
_EHALF = _EPT // 2


def _sc_hist_body(idx_a, idx_b, out_a, out_b,
                  buf0, buf1, hist0, sem0, sem1):
    c = lax.axis_index("c")
    s = lax.axis_index("s")
    base = s * _EPT

    zeros16 = jnp.zeros((16,), jnp.float32)
    ones16 = jnp.ones((16,), jnp.float32)

    def _zero(i, carry):
        for k in range(8):
            hist0[pl.ds((i * 8 + k) * 16, 16)] = zeros16
        return carry

    def _accum(buf):
        def body(j, carry):
            for k in range(25):
                iv = buf[pl.ds((j * 25 + k) * 16, 16)]
                plsc.addupdate_scatter(hist0, [iv], ones16)
            return carry

        lax.fori_loop(0, _EHALF // 400, body, 0)

    def _run(idx, out):
        cp0 = pltpu.async_copy(idx.at[pl.ds(base, _EHALF)], buf0, sem0)
        cp1 = pltpu.async_copy(idx.at[pl.ds(base + _EHALF, _EHALF)],
                               buf1, sem1)
        lax.fori_loop(0, _NPAD // 128, _zero, 0)
        cp0.wait()
        _accum(buf0)
        cp1.wait()
        _accum(buf1)
        pltpu.sync_copy(hist0, out.at[s])

    @pl.when(c == 0)
    def _():
        _run(idx_a, out_a)

    @pl.when(c == 1)
    def _():
        _run(idx_b, out_b)


@functools.cache
def _sc_degree_hist():
    mesh = plsc.VectorSubcoreMesh(
        core_axis_name="c", subcore_axis_name="s",
        num_cores=_NC, num_subcores=_NS)
    return pl.kernel(
        _sc_hist_body,
        out_type=(
            jax.ShapeDtypeStruct((_NS, _NPAD), jnp.float32),
            jax.ShapeDtypeStruct((_NS, _NPAD), jnp.float32),
        ),
        mesh=mesh,
        compiler_params=pltpu.CompilerParams(needs_layout_passes=False),
        scratch_types=[
            pltpu.VMEM((_EHALF,), jnp.int32),
            pltpu.VMEM((_EHALF,), jnp.int32),
            pltpu.VMEM((_NPAD,), jnp.float32),
            pltpu.SemaphoreType.DMA,
            pltpu.SemaphoreType.DMA,
        ],
    )


def _tc_body(ue_r, ie_r, ue_c, ie_c, wc_t, bc_c, wcb_t, bcb_c,
             wnu_h, wnu_m, bnu_r, wni_h, wni_m, bni_r, p_a, p_b,
             out_u, out_i):
    m_c = jax.nn.relu(
        jnp.sum(wc_t[...] * ue_r[...], axis=1, keepdims=True) + bc_c[...])
    m_cb = jax.nn.relu(
        jnp.sum(wcb_t[...] * ie_r[...], axis=1, keepdims=True) + bcb_c[...])
    a_i = jnp.sum(ie_c[...] * wni_h[...], axis=0, keepdims=True) + bni_r[...]
    v_i = jnp.sum(m_c * wni_m[...], axis=0, keepdims=True)
    a_u = jnp.sum(ue_c[...] * wnu_h[...], axis=0, keepdims=True) + bnu_r[...]
    v_u = jnp.sum(m_cb * wnu_m[...], axis=0, keepdims=True)
    deg_a = jnp.sum(p_a[...], axis=0, keepdims=True)
    deg_b = jnp.sum(p_b[...], axis=0, keepdims=True)
    dn = (((0,), (0,)), ((), ()))
    out_i[...] = jax.nn.relu(
        a_i + lax.dot_general(deg_a, v_i, dn,
                              preferred_element_type=jnp.float32))
    out_u[...] = jax.nn.relu(
        a_u + lax.dot_general(deg_b, v_u, dn,
                              preferred_element_type=jnp.float32))


_BLK = 2560


def _const_spec(shape):
    return pl.BlockSpec(shape, lambda i: (0,) * len(shape))


_tc_call = pl.pallas_call(
    _tc_body,
    grid=(_NPAD // _BLK,),
    in_specs=[
        _const_spec((1, _D)), _const_spec((1, _D)),
        _const_spec((_D, 1)), _const_spec((_D, 1)),
        _const_spec((_D, _D)), _const_spec((_D, 1)),
        _const_spec((_D, _D)), _const_spec((_D, 1)),
        _const_spec((_D, _D)), _const_spec((_D, _D)), _const_spec((1, _D)),
        _const_spec((_D, _D)), _const_spec((_D, _D)), _const_spec((1, _D)),
        pl.BlockSpec((2 * _NS, _BLK), lambda i: (0, i)),
        pl.BlockSpec((2 * _NS, _BLK), lambda i: (0, i)),
    ],
    out_specs=(
        pl.BlockSpec((_BLK, _D), lambda i: (i, 0)),
        pl.BlockSpec((_BLK, _D), lambda i: (i, 0)),
    ),
    out_shape=(
        jax.ShapeDtypeStruct((_NU, _D), jnp.float32),
        jax.ShapeDtypeStruct((_NI, _D), jnp.float32),
    ),
)


@jax.jit
def kernel(clicks_src, clicks_dst, clicked_by_src, clicked_by_dst,
           user_emb, item_emb,
           W_clicks, b_clicks, W_clicked_by, b_clicked_by,
           Wn_user, bn_user, Wn_item, bn_item):
    del clicks_src, clicked_by_src
    p_a, p_b = _sc_degree_hist()(clicks_dst.astype(jnp.int32),
                                 clicked_by_dst.astype(jnp.int32))

    out_u, out_i = _tc_call(
        user_emb, item_emb,
        user_emb.reshape(_D, 1), item_emb.reshape(_D, 1),
        W_clicks.T, b_clicks.reshape(_D, 1),
        W_clicked_by.T, b_clicked_by.reshape(_D, 1),
        Wn_user[:_D], Wn_user[_D:], bn_user.reshape(1, _D),
        Wn_item[:_D], Wn_item[_D:], bn_item.reshape(1, _D),
        p_a, p_b)
    return (out_u, out_i)

# --- scband reference (transcript-rebuilt; emitter-appended) ---
"""Pipeline reference for scband-hetero-gcn-6743098655603 (READ-ONLY COPY).

The authoritative reference and input builder live on the scoring server;
editing this copy changes nothing except your own understanding.
"""

import jax, jax.numpy as jnp
import numpy as np

NU = 10000  # num 'user' nodes
NI = 10000  # num 'item' nodes
E = 320000  # edges per canonical etype
D = 128     # layer width (edge_layer_sizes / node_layer_sizes units)


def setup_inputs(seed: int = 0) -> dict:
    key = jax.random.key(seed)
    ks = jax.random.split(key, 14)
    inp = {}
    # Heterograph connectivity (DGL g decomposed into per-etype (src, dst) index arrays)
    inp["clicks_src"] = jax.random.randint(ks[0], (E,), 0, NU, dtype=jnp.int32)      # user indices
    inp["clicks_dst"] = jax.random.randint(ks[1], (E,), 0, NI, dtype=jnp.int32)      # item indices
    inp["clicked_by_src"] = jax.random.randint(ks[2], (E,), 0, NI, dtype=jnp.int32)  # item indices
    inp["clicked_by_dst"] = jax.random.randint(ks[3], (E,), 0, NU, dtype=jnp.int32)  # user indices
    # Learned per-ntype embeddings (HeteroGCN.ntype_embeddings), shape (1, D)
    inp["user_emb"] = jax.random.normal(ks[4], (1, D), dtype=jnp.float32) * 0.05
    inp["item_emb"] = jax.random.normal(ks[5], (1, D), dtype=jnp.float32) * 0.05
    # Edge-layer Dense(relu) params, one per canonical etype (input = src 'h' only, dim D)
    inp["W_clicks"] = jax.random.normal(ks[6], (D, D), dtype=jnp.float32) * (1.0 / np.sqrt(D))
    inp["b_clicks"] = jnp.zeros((D,), dtype=jnp.float32)
    inp["W_clicked_by"] = jax.random.normal(ks[7], (D, D), dtype=jnp.float32) * (1.0 / np.sqrt(D))
    inp["b_clicked_by"] = jnp.zeros((D,), dtype=jnp.float32)
    # Node-layer Dense(relu) params: input = concat([h (D), stacked reduced message (D)]) -> 2D in
    inp["Wn_user"] = jax.random.normal(ks[8], (2 * D, D), dtype=jnp.float32) * (1.0 / np.sqrt(2 * D))
    inp["bn_user"] = jnp.zeros((D,), dtype=jnp.float32)
    inp["Wn_item"] = jax.random.normal(ks[9], (2 * D, D), dtype=jnp.float32) * (1.0 / np.sqrt(2 * D))
    inp["bn_item"] = jnp.zeros((D,), dtype=jnp.float32)
    return inp


def reference(clicks_src, clicks_dst, clicked_by_src, clicked_by_dst,
              user_emb, item_emb,
              W_clicks, b_clicks, W_clicked_by, b_clicked_by,
              Wn_user, bn_user, Wn_item, bn_item):
    # initial_node_embeddings: tile the (1, D) ntype embedding over all nodes of that type
    h_user = jnp.tile(user_emb, (NU, 1))
    h_item = jnp.tile(item_emb, (NI, 1))

    # message_func per etype: Dense(relu) on gathered src 'h' (no src['feat'] / edge['feat'] present)
    msg_clicks = jax.nn.relu(jnp.take(h_user, clicks_src, axis=0) @ W_clicks + b_clicks)
    msg_clicked_by = jax.nn.relu(jnp.take(h_item, clicked_by_src, axis=0) @ W_clicked_by + b_clicked_by)

    # dgl.function.sum reduce per etype: scatter-add messages onto dst nodes
    # ('stack' cross-reducer yields (N, 1, D); the squeeze in apply_node_func makes it (N, D))
    m_clicks = jax.ops.segment_sum(msg_clicks, clicks_dst, num_segments=NI)        # -> item nodes
    m_clicked_by = jax.ops.segment_sum(msg_clicked_by, clicked_by_dst, num_segments=NU)  # -> user nodes

    # apply_node_func: concat [h, reduced message per incoming etype (etype_dict order)] -> Dense(relu)
    out_item = jax.nn.relu(jnp.concatenate([h_item, m_clicks], axis=1) @ Wn_item + bn_item)
    out_user = jax.nn.relu(jnp.concatenate([h_user, m_clicked_by], axis=1) @ Wn_user + bn_user)

    # output_ntypes = ['user', 'item']
    return (out_user, out_item)

if __name__ == "__main__":
    import jax
    _d = setup_inputs()
    print(jax.jit(kernel)(*tuple(_d.values())))

</pallas_src>

<mosaic_0001>
#map = affine_map<(d0, d1) -> (0)>
#map1 = affine_map<(d0, d1) -> (0, 0)>
module attributes {stable_mosaic.version = 14 : i64} {
  func.func @_sc_hist_body(%arg0: i32, %arg1: i32, %arg2: memref<320000xi32, #tpu.memory_space<hbm>>, %arg3: memref<320000xi32, #tpu.memory_space<hbm>>, %arg4: memref<16x10240xf32, #tpu.memory_space<hbm>>, %arg5: memref<16x10240xf32, #tpu.memory_space<hbm>>, %arg6: memref<10000xi32, #tpu.memory_space<vmem>>, %arg7: memref<10000xi32, #tpu.memory_space<vmem>>, %arg8: memref<10240xf32, #tpu.memory_space<vmem>>, %arg9: memref<!tpu.dma_semaphore, #tpu.memory_space<semaphore_mem>>, %arg10: memref<!tpu.dma_semaphore, #tpu.memory_space<semaphore_mem>>) attributes {dimension_semantics = [#tpu.dimension_semantics<core_parallel>, #tpu.dimension_semantics<subcore_parallel>], iteration_bounds = array<i64: 2, 16>, scalar_prefetch = 0 : i64, scratch_operands = 5 : i64, tpu.core_type = #tpu.core_type<sc_vector_subcore>, window_params = [{transform_indices = #map}, {transform_indices = #map}, {transform_indices = #map1}, {transform_indices = #map1}]} {
    %mul3A = arith.constant 20000 : i32
    %mul3A_0 = arith.muli %arg1, %mul3A : i32
    %broadcast_in_dim3A = arith.constant 0.000000e+00 : f32
    %broadcast_in_dim3A_1 = vector.broadcast %broadcast_in_dim3A : f32 to vector<16xf32>
    %broadcast_in_dim3A_2 = arith.constant 1.000000e+00 : f32
    %broadcast_in_dim3A_3 = vector.broadcast %broadcast_in_dim3A_2 : f32 to vector<16xf32>
    %eq3A = arith.constant 0 : i32
    %eq3A_4 = arith.cmpi eq, %arg0, %eq3A : i32
    %convert_element_type3A = arith.extui %eq3A_4 : i1 to i32
    %cond3A = arith.constant 0 : i32
    %cond3A_5 = arith.cmpi ne, %convert_element_type3A, %cond3A : i32
    scf.if %cond3A_5 {
      %dma_start3A = tpu.memref_slice %arg2[%mul3A_0] : memref<320000xi32, #tpu.memory_space<hbm>> -> memref<10000xi32, #tpu.memory_space<hbm>>
      %dma_start3A_11 = tpu.memref_slice %arg2[%mul3A_0] : memref<320000xi32, #tpu.memory_space<hbm>> -> memref<10000xi32, #tpu.memory_space<hbm>>
      tpu.enqueue_dma source(%dma_start3A_11 : memref<10000xi32, #tpu.memory_space<hbm>>) target(%arg6 : memref<10000xi32, #tpu.memory_space<vmem>>) target_semaphore(%arg9 : memref<!tpu.dma_semaphore, #tpu.memory_space<semaphore_mem>>)
      %add3A = arith.constant 10000 : i32
      %add3A_12 = arith.addi %mul3A_0, %add3A : i32
      %dma_start3A_13 = tpu.memref_slice %arg2[%add3A_12] : memref<320000xi32, #tpu.memory_space<hbm>> -> memref<10000xi32, #tpu.memory_space<hbm>>
      %dma_start3A_14 = tpu.memref_slice %arg2[%add3A_12] : memref<320000xi32, #tpu.memory_space<hbm>> -> memref<10000xi32, #tpu.memory_space<hbm>>
      tpu.enqueue_dma source(%dma_start3A_14 : memref<10000xi32, #tpu.memory_space<hbm>>) target(%arg7 : memref<10000xi32, #tpu.memory_space<vmem>>) target_semaphore(%arg10 : memref<!tpu.dma_semaphore, #tpu.memory_space<semaphore_mem>>)
      %scan3A = arith.constant 0 : i32
      %scan3A_15 = arith.constant 0 : i32
      %scan3A_16 = arith.constant 80 : i32
      %scan3A_17 = arith.addi %scan3A_15, %scan3A_16 : i32
      %scan3A_18 = arith.constant 1 : i32
      scf.for %scan3A_35 = %scan3A_15 to %scan3A_17 step %scan3A_18  : i32 {
        %mul3A_36 = arith.constant 8 : i32
        %mul3A_37 = arith.muli %scan3A_35, %mul3A_36 : i32
        %add3A_38 = arith.constant 0 : i32
        %add3A_39 = arith.addi %mul3A_37, %add3A_38 : i32
        %mul3A_40 = arith.constant 16 : i32
        %mul3A_41 = arith.muli %add3A_39, %mul3A_40 : i32
        %swap3A = arith.index_cast %mul3A_41 : i32 to index
        %swap3A_42 = tpu.vector_load %arg8[%swap3A] {strides = array<i32>} : memref<10240xf32, #tpu.memory_space<vmem>>, vector<16xf32>,
        tpu.vector_store %arg8[%swap3A], %broadcast_in_dim3A_1 {strides = array<i32>} : memref<10240xf32, #tpu.memory_space<vmem>>, vector<16xf32>,
        %mul3A_43 = arith.constant 8 : i32
        %mul3A_44 = arith.muli %scan3A_35, %mul3A_43 : i32
        %add3A_45 = arith.constant 1 : i32
        %add3A_46 = arith.addi %mul3A_44, %add3A_45 : i32
        %mul3A_47 = arith.constant 16 : i32
        %mul3A_48 = arith.muli %add3A_46, %mul3A_47 : i32
        %swap3A_49 = arith.index_cast %mul3A_48 : i32 to index
        %swap3A_50 = tpu.vector_load %arg8[%swap3A_49] {strides = array<i32>} : memref<10240xf32, #tpu.memory_space<vmem>>, vector<16xf32>,
        tpu.vector_store %arg8[%swap3A_49], %broadcast_in_dim3A_1 {strides = array<i32>} : memref<10240xf32, #tpu.memory_space<vmem>>, vector<16xf32>,
        %mul3A_51 = arith.constant 8 : i32
        %mul3A_52 = arith.muli %scan3A_35, %mul3A_51 : i32
        %add3A_53 = arith.constant 2 : i32
        %add3A_54 = arith.addi %mul3A_52, %add3A_53 : i32
        %mul3A_55 = arith.constant 16 : i32
        %mul3A_56 = arith.muli %add3A_54, %mul3A_55 : i32
        %swap3A_57 = arith.index_cast %mul3A_56 : i32 to index
        %swap3A_58 = tpu.vector_load %arg8[%swap3A_57] {strides = array<i32>} : memref<10240xf32, #tpu.memory_space<vmem>>, vector<16xf32>,
        tpu.vector_store %arg8[%swap3A_57], %broadcast_in_dim3A_1 {strides = array<i32>} : memref<10240xf32, #tpu.memory_space<vmem>>, vector<16xf32>,
        %mul3A_59 = arith.constant 8 : i32
        %mul3A_60 = arith.muli %scan3A_35, %mul3A_59 : i32
        %add3A_61 = arith.constant 3 : i32
        %add3A_62 = arith.addi %mul3A_60, %add3A_61 : i32
        %mul3A_63 = arith.constant 16 : i32
        %mul3A_64 = arith.muli %add3A_62, %mul3A_63 : i32
        %swap3A_65 = arith.index_cast %mul3A_64 : i32 to index
        %swap3A_66 = tpu.vector_load %arg8[%swap3A_65] {strides = array<i32>} : memref<10240xf32, #tpu.memory_space<vmem>>, vector<16xf32>,
        tpu.vector_store %arg8[%swap3A_65], %broadcast_in_dim3A_1 {strides = array<i32>} : memref<10240xf32, #tpu.memory_space<vmem>>, vector<16xf32>,
        %mul3A_67 = arith.constant 8 : i32
        %mul3A_68 = arith.muli %scan3A_35, %mul3A_67 : i32
        %add3A_69 = arith.constant 4 : i32
        %add3A_70 = arith.addi %mul3A_68, %add3A_69 : i32
        %mul3A_71 = arith.constant 16 : i32
        %mul3A_72 = arith.muli %add3A_70, %mul3A_71 : i32
        %swap3A_73 = arith.index_cast %mul3A_72 : i32 to index
        %swap3A_74 = tpu.vector_load %arg8[%swap3A_73] {strides = array<i32>} : memref<10240xf32, #tpu.memory_space<vmem>>, vector<16xf32>,
        tpu.vector_store %arg8[%swap3A_73], %broadcast_in_dim3A_1 {strides = array<i32>} : memref<10240xf32, #tpu.memory_space<vmem>>, vector<16xf32>,
        %mul3A_75 = arith.constant 8 : i32
        %mul3A_76 = arith.muli %scan3A_35, %mul3A_75 : i32
        %add3A_77 = arith.constant 5 : i32
        %add3A_78 = arith.addi %mul3A_76, %add3A_77 : i32
        %mul3A_79 = arith.constant 16 : i32
        %mul3A_80 = arith.muli %add3A_78, %mul3A_79 : i32
        %swap3A_81 = arith.index_cast %mul3A_80 : i32 to index
        %swap3A_82 = tpu.vector_load %arg8[%swap3A_81] {strides = array<i32>} : memref<10240xf32, #tpu.memory_space<vmem>>, vector<16xf32>,
        tpu.vector_store %arg8[%swap3A_81], %broadcast_in_dim3A_1 {strides = array<i32>} : memref<10240xf32, #tpu.memory_space<vmem>>, vector<16xf32>,
        %mul3A_83 = arith.constant 8 : i32
        %mul3A_84 = arith.muli %scan3A_35, %mul3A_83 : i32
        %add3A_85 = arith.constant 6 : i32
        %add3A_86 = arith.addi %mul3A_84, %add3A_85 : i32
        %mul3A_87 = arith.constant 16 : i32
        %mul3A_88 = arith.muli %add3A_86, %mul3A_87 : i32
        %swap3A_89 = arith.index_cast %mul3A_88 : i32 to index
        %swap3A_90 = tpu.vector_load %arg8[%swap3A_89] {strides = array<i32>} : memref<10240xf32, #tpu.memory_space<vmem>>, vector<16xf32>,
        tpu.vector_store %arg8[%swap3A_89], %broadcast_in_dim3A_1 {strides = array<i32>} : memref<10240xf32, #tpu.memory_space<vmem>>, vector<16xf32>,
        %mul3A_91 = arith.constant 8 : i32
        %mul3A_92 = arith.muli %scan3A_35, %mul3A_91 : i32
        %add3A_93 = arith.constant 7 : i32
        %add3A_94 = arith.addi %mul3A_92, %add3A_93 : i32
        %mul3A_95 = arith.constant 16 : i32
        %mul3A_96 = arith.muli %add3A_94, %mul3A_95 : i32
        %swap3A_97 = arith.index_cast %mul3A_96 : i32 to index
        %swap3A_98 = tpu.vector_load %arg8[%swap3A_97] {strides = array<i32>} : memref<10240xf32, #tpu.memory_space<vmem>>, vector<16xf32>,
        tpu.vector_store %arg8[%swap3A_97], %broadcast_in_dim3A_1 {strides = array<i32>} : memref<10240xf32, #tpu.memory_space<vmem>>, vector<16xf32>,
      }
      %scan3A_19 = arith.constant 80 : i32
      %dma_wait3A = tpu.memref_slice %arg2[%mul3A_0] : memref<320000xi32, #tpu.memory_space<hbm>> -> memref<10000xi32, #tpu.memory_space<hbm>>
      %dma_wait3A_20 = tpu.memref_slice %arg2[%mul3A_0] : memref<320000xi32, #tpu.memory_space<hbm>> -> memref<10000xi32, #tpu.memory_space<hbm>>
      tpu.wait_dma2 semaphore(%arg9 : memref<!tpu.dma_semaphore, #tpu.memory_space<semaphore_mem>>) src(%dma_wait3A_20 : memref<10000xi32, #tpu.memory_space<hbm>>) dst(%arg6 : memref<10000xi32, #tpu.memory_space<vmem>>)
      %scan3A_21 = arith.constant 0 : i32
      %scan3A_22 = arith.constant 0 : i32
      %scan3A_23 = arith.constant 25 : i32
      %scan3A_24 = arith.addi %scan3A_22, %scan3A_23 : i32
      %scan3A_25 = arith.constant 1 : i32
      scf.for %scan3A_35 = %scan3A_22 to %scan3A_24 step %scan3A_25  : i32 {
        %mul3A_36 = arith.constant 25 : i32
        %mul3A_37 = arith.muli %scan3A_35, %mul3A_36 : i32
        %add3A_38 = arith.constant 0 : i32
        %add3A_39 = arith.addi %mul3A_37, %add3A_38 : i32
        %mul3A_40 = arith.constant 16 : i32
        %mul3A_41 = arith.muli %add3A_39, %mul3A_40 : i32
        %get3A = arith.index_cast %mul3A_41 : i32 to index
        %get3A_42 = tpu.vector_load %arg6[%get3A] {strides = array<i32>} : memref<10000xi32, #tpu.memory_space<vmem>>, vector<16xi32>,
        tpu.vector_store_idx %arg8[%get3A_42], %broadcast_in_dim3A_3 {add = true} : memref<10240xf32, #tpu.memory_space<vmem>>[vector<16xi32>], vector<16xf32>,
        %mul3A_43 = arith.constant 25 : i32
        %mul3A_44 = arith.muli %scan3A_35, %mul3A_43 : i32
        %add3A_45 = arith.constant 1 : i32
        %add3A_46 = arith.addi %mul3A_44, %add3A_45 : i32
        %mul3A_47 = arith.constant 16 : i32
        %mul3A_48 = arith.muli %add3A_46, %mul3A_47 : i32
        %get3A_49 = arith.index_cast %mul3A_48 : i32 to index
        %get3A_50 = tpu.vector_load %arg6[%get3A_49] {strides = array<i32>} : memref<10000xi32, #tpu.memory_space<vmem>>, vector<16xi32>,
        tpu.vector_store_idx %arg8[%get3A_50], %broadcast_in_dim3A_3 {add = true} : memref<10240xf32, #tpu.memory_space<vmem>>[vector<16xi32>], vector<16xf32>,
        %mul3A_51 = arith.constant 25 : i32
        %mul3A_52 = arith.muli %scan3A_35, %mul3A_51 : i32
        %add3A_53 = arith.constant 2 : i32
        %add3A_54 = arith.addi %mul3A_52, %add3A_53 : i32
        %mul3A_55 = arith.constant 16 : i32
        %mul3A_56 = arith.muli %add3A_54, %mul3A_55 : i32
        %get3A_57 = arith.index_cast %mul3A_56 : i32 to index
        %get3A_58 = tpu.vector_load %arg6[%get3A_57] {strides = array<i32>} : memref<10000xi32, #tpu.memory_space<vmem>>, vector<16xi32>,
        tpu.vector_store_idx %arg8[%get3A_58], %broadcast_in_dim3A_3 {add = true} : memref<10240xf32, #tpu.memory_space<vmem>>[vector<16xi32>], vector<16xf32>,
        %mul3A_59 = arith.constant 25 : i32
        %mul3A_60 = arith.muli %scan3A_35, %mul3A_59 : i32
        %add3A_61 = arith.constant 3 : i32
        %add3A_62 = arith.addi %mul3A_60, %add3A_61 : i32
        %mul3A_63 = arith.constant 16 : i32
        %mul3A_64 = arith.muli %add3A_62, %mul3A_63 : i32
        %get3A_65 = arith.index_cast %mul3A_64 : i32 to index
        %get3A_66 = tpu.vector_load %arg6[%get3A_65] {strides = array<i32>} : memref<10000xi32, #tpu.memory_space<vmem>>, vector<16xi32>,
        tpu.vector_store_idx %arg8[%get3A_66], %broadcast_in_dim3A_3 {add = true} : memref<10240xf32, #tpu.memory_space<vmem>>[vector<16xi32>], vector<16xf32>,
        %mul3A_67 = arith.constant 25 : i32
        %mul3A_68 = arith.muli %scan3A_35, %mul3A_67 : i32
        %add3A_69 = arith.constant 4 : i32
        %add3A_70 = arith.addi %mul3A_68, %add3A_69 : i32
        %mul3A_71 = arith.constant 16 : i32
        %mul3A_72 = arith.muli %add3A_70, %mul3A_71 : i32
        %get3A_73 = arith.index_cast %mul3A_72 : i32 to index
        %get3A_74 = tpu.vector_load %arg6[%get3A_73] {strides = array<i32>} : memref<10000xi32, #tpu.memory_space<vmem>>, vector<16xi32>,
        tpu.vector_store_idx %arg8[%get3A_74], %broadcast_in_dim3A_3 {add = true} : memref<10240xf32, #tpu.memory_space<vmem>>[vector<16xi32>], vector<16xf32>,
        %mul3A_75 = arith.constant 25 : i32
        %mul3A_76 = arith.muli %scan3A_35, %mul3A_75 : i32
        %add3A_77 = arith.constant 5 : i32
        %add3A_78 = arith.addi %mul3A_76, %add3A_77 : i32
        %mul3A_79 = arith.constant 16 : i32
        %mul3A_80 = arith.muli %add3A_78, %mul3A_79 : i32
        %get3A_81 = arith.index_cast %mul3A_80 : i32 to index
        %get3A_82 = tpu.vector_load %arg6[%get3A_81] {strides = array<i32>} : memref<10000xi32, #tpu.memory_space<vmem>>, vector<16xi32>,
        tpu.vector_store_idx %arg8[%get3A_82], %broadcast_in_dim3A_3 {add = true} : memref<10240xf32, #tpu.memory_space<vmem>>[vector<16xi32>], vector<16xf32>,
        %mul3A_83 = arith.constant 25 : i32
        %mul3A_84 = arith.muli %scan3A_35, %mul3A_83 : i32
        %add3A_85 = arith.constant 6 : i32
        %add3A_86 = arith.addi %mul3A_84, %add3A_85 : i32
        %mul3A_87 = arith.constant 16 : i32
        %mul3A_88 = arith.muli %add3A_86, %mul3A_87 : i32
        %get3A_89 = arith.index_cast %mul3A_88 : i32 to index
        %get3A_90 = tpu.vector_load %arg6[%get3A_89] {strides = array<i32>} : memref<10000xi32, #tpu.memory_space<vmem>>, vector<16xi32>,
        tpu.vector_store_idx %arg8[%get3A_90], %broadcast_in_dim3A_3 {add = true} : memref<10240xf32, #tpu.memory_space<vmem>>[vector<16xi32>], vector<16xf32>,
        %mul3A_91 = arith.constant 25 : i32
        %mul3A_92 = arith.muli %scan3A_35, %mul3A_91 : i32
        %add3A_93 = arith.constant 7 : i32
        %add3A_94 = arith.addi %mul3A_92, %add3A_93 : i32
        %mul3A_95 = arith.constant 16 : i32
        %mul3A_96 = arith.muli %add3A_94, %mul3A_95 : i32
        %get3A_97 = arith.index_cast %mul3A_96 : i32 to index
        %get3A_98 = tpu.vector_load %arg6[%get3A_97] {strides = array<i32>} : memref<10000xi32, #tpu.memory_space<vmem>>, vector<16xi32>,
        tpu.vector_store_idx %arg8[%get3A_98], %broadcast_in_dim3A_3 {add = true} : memref<10240xf32, #tpu.memory_space<vmem>>[vector<16xi32>], vector<16xf32>,
        %mul3A_99 = arith.constant 25 : i32
        %mul3A_100 = arith.muli %scan3A_35, %mul3A_99 : i32
        %add3A_101 = arith.constant 8 : i32
        %add3A_102 = arith.addi %mul3A_100, %add3A_101 : i32
        %mul3A_103 = arith.constant 16 : i32
        %mul3A_104 = arith.muli %add3A_102, %mul3A_103 : i32
        %get3A_105 = arith.index_cast %mul3A_104 : i32 to index
        %get3A_106 = tpu.vector_load %arg6[%get3A_105] {strides = array<i32>} : memref<10000xi32, #tpu.memory_space<vmem>>, vector<16xi32>,
        tpu.vector_store_idx %arg8[%get3A_106], %broadcast_in_dim3A_3 {add = true} : memref<10240xf32, #tpu.memory_space<vmem>>[vector<16xi32>], vector<16xf32>,
        %mul3A_107 = arith.constant 25 : i32
        %mul3A_108 = arith.muli %scan3A_35, %mul3A_107 : i32
        %add3A_109 = arith.constant 9 : i32
        %add3A_110 = arith.addi %mul3A_108, %add3A_109 : i32
        %mul3A_111 = arith.constant 16 : i32
        %mul3A_112 = arith.muli %add3A_110, %mul3A_111 : i32
        %get3A_113 = arith.index_cast %mul3A_112 : i32 to index
        %get3A_114 = tpu.vector_load %arg6[%get3A_113] {strides = array<i32>} : memref<10000xi32, #tpu.memory_space<vmem>>, vector<16xi32>,
        tpu.vector_store_idx %arg8[%get3A_114], %broadcast_in_dim3A_3 {add = true} : memref<10240xf32, #tpu.memory_space<vmem>>[vector<16xi32>], vector<16xf32>,
        %mul3A_115 = arith.constant 25 : i32
        %mul3A_116 = arith.muli %scan3A_35, %mul3A_115 : i32
        %add3A_117 = arith.constant 10 : i32
        %add3A_118 = arith.addi %mul3A_116, %add3A_117 : i32
        %mul3A_119 = arith.constant 16 : i32
        %mul3A_120 = arith.muli %add3A_118, %mul3A_119 : i32
        %get3A_121 = arith.index_cast %mul3A_120 : i32 to index
        %get3A_122 = tpu.vector_load %arg6[%get3A_121] {strides = array<i32>} : memref<10000xi32, #tpu.memory_space<vmem>>, vector<16xi32>,
        tpu.vector_store_idx %arg8[%get3A_122], %broadcast_in_dim3A_3 {add = true} : memref<10240xf32, #tpu.memory_space<vmem>>[vector<16xi32>], vector<16xf32>,
        %mul3A_123 = arith.constant 25 : i32
        %mul3A_124 = arith.muli %scan3A_35, %mul3A_123 : i32
        %add3A_125 = arith.constant 11 : i32
        %add3A_126 = arith.addi %mul3A_124, %add3A_125 : i32
        %mul3A_127 = arith.constant 16 : i32
        %mul3A_128 = arith.muli %add3A_126, %mul3A_127 : i32
        %get3A_129 = arith.index_cast %mul3A_128 : i32 to index
        %get3A_130 = tpu.vector_load %arg6[%get3A_129] {strides = array<i32>} : memref<10000xi32, #tpu.memory_space<vmem>>, vector<16xi32>,
        tpu.vector_store_idx %arg8[%get3A_130], %broadcast_in_dim3A_3 {add = true} : memref<10240xf32, #tpu.memory_space<vmem>>[vector<16xi32>], vector<16xf32>,
        %mul3A_131 = arith.constant 25 : i32
        %mul3A_132 = arith.muli %scan3A_35, %mul3A_131 : i32
        %add3A_133 = arith.constant 12 : i32
        %add3A_134 = arith.addi %mul3A_132, %add3A_133 : i32
        %mul3A_135 = arith.constant 16 : i32
        %mul3A_136 = arith.muli %add3A_134, %mul3A_135 : i32
        %get3A_137 = arith.index_cast %mul3A_136 : i32 to index
        %get3A_138 = tpu.vector_load %arg6[%get3A_137] {strides = array<i32>} : memref<10000xi32, #tpu.memory_space<vmem>>, vector<16xi32>,
        tpu.vector_store_idx %arg8[%get3A_138], %broadcast_in_dim3A_3 {add = true} : memref<10240xf32, #tpu.memory_space<vmem>>[vector<16xi32>], vector<16xf32>,
        %mul3A_139 = arith.constant 25 : i32
        %mul3A_140 = arith.muli %scan3A_35, %mul3A_139 : i32
        %add3A_141 = arith.constant 13 : i32
        %add3A_142 = arith.addi %mul3A_140, %add3A_141 : i32
        %mul3A_143 = arith.constant 16 : i32
        %mul3A_144 = arith.muli %add3A_142, %mul3A_143 : i32
        %get3A_145 = arith.index_cast %mul3A_144 : i32 to index
        %get3A_146 = tpu.vector_load %arg6[%get3A_145] {strides = array<i32>} : memref<10000xi32, #tpu.memory_space<vmem>>, vector<16xi32>,
        tpu.vector_store_idx %arg8[%get3A_146], %broadcast_in_dim3A_3 {add = true} : memref<10240xf32, #tpu.memory_space<vmem>>[vector<16xi32>], vector<16xf32>,
        %mul3A_147 = arith.constant 25 : i32
        %mul3A_148 = arith.muli %scan3A_35, %mul3A_147 : i32
        %add3A_149 = arith.constant 14 : i32
        %add3A_150 = arith.addi %mul3A_148, %add3A_149 : i32
        %mul3A_151 = arith.constant 16 : i32
        %mul3A_152 = arith.muli %add3A_150, %mul3A_151 : i32
        %get3A_153 = arith.index_cast %mul3A_152 : i32 to index
        %get3A_154 = tpu.vector_load %arg6[%get3A_153] {strides = array<i32>} : memref<10000xi32, #tpu.memory_space<vmem>>, vector<16xi32>,
        tpu.vector_store_idx %arg8[%get3A_154], %broadcast_in_dim3A_3 {add = true} : memref<10240xf32, #tpu.memory_space<vmem>>[vector<16xi32>], vector<16xf32>,
        %mul3A_155 = arith.constant 25 : i32
        %mul3A_156 = arith.muli %scan3A_35, %mul3A_155 : i32
        %add3A_157 = arith.constant 15 : i32
        %add3A_158 = arith.addi %mul3A_156, %add3A_157 : i32
        %mul3A_159 = arith.constant 16 : i32
        %mul3A_160 = arith.muli %add3A_158, %mul3A_159 : i32
        %get3A_161 = arith.index_cast %mul3A_160 : i32 to index
        %get3A_162 = tpu.vector_load %arg6[%get3A_161] {strides = array<i32>} : memref<10000xi32, #tpu.memory_space<vmem>>, vector<16xi32>,
        tpu.vector_store_idx %arg8[%get3A_162], %broadcast_in_dim3A_3 {add = true} : memref<10240xf32, #tpu.memory_space<vmem>>[vector<16xi32>], vector<16xf32>,
        %mul3A_163 = arith.constant 25 : i32
        %mul3A_164 = arith.muli %scan3A_35, %mul3A_163 : i32
        %add3A_165 = arith.constant 16 : i32
        %add3A_166 = arith.addi %mul3A_164, %add3A_165 : i32
        %mul3A_167 = arith.constant 16 : i32
        %mul3A_168 = arith.muli %add3A_166, %mul3A_167 : i32
        %get3A_169 = arith.index_cast %mul3A_168 : i32 to index
        %get3A_170 = tpu.vector_load %arg6[%get3A_169] {strides = array<i32>} : memref<10000xi32, #tpu.memory_space<vmem>>, vector<16xi32>,
        tpu.vector_store_idx %arg8[%get3A_170], %broadcast_in_dim3A_3 {add = true} : memref<10240xf32, #tpu.memory_space<vmem>>[vector<16xi32>], vector<16xf32>,
        %mul3A_171 = arith.constant 25 : i32
        %mul3A_172 = arith.muli %scan3A_35, %mul3A_171 : i32
        %add3A_173 = arith.constant 17 : i32
        %add3A_174 = arith.addi %mul3A_172, %add3A_173 : i32
        %mul3A_175 = arith.constant 16 : i32
        %mul3A_176 = arith.muli %add3A_174, %mul3A_175 : i32
        %get3A_177 = arith.index_cast %mul3A_176 : i32 to index
        %get3A_178 = tpu.vector_load %arg6[%get3A_177] {strides = array<i32>} : memref<10000xi32, #tpu.memory_space<vmem>>, vector<16xi32>,
        tpu.vector_store_idx %arg8[%get3A_178], %broadcast_in_dim3A_3 {add = true} : memref<10240xf32, #tpu.memory_space<vmem>>[vector<16xi32>], vector<16xf32>,
        %mul3A_179 = arith.constant 25 : i32
        %mul3A_180 = arith.muli %scan3A_35, %mul3A_179 : i32
        %add3A_181 = arith.constant 18 : i32
        %add3A_182 = arith.addi %mul3A_180, %add3A_181 : i32
        %mul3A_183 = arith.constant 16 : i32
        %mul3A_184 = arith.muli %add3A_182, %mul3A_183 : i32
        %get3A_185 = arith.index_cast %mul3A_184 : i32 to index
        %get3A_186 = tpu.vector_load %arg6[%get3A_185] {strides = array<i32>} : memref<10000xi32, #tpu.memory_space<vmem>>, vector<16xi32>,
        tpu.vector_store_idx %arg8[%get3A_186], %broadcast_in_dim3A_3 {add = true} : memref<10240xf32, #tpu.memory_space<vmem>>[vector<16xi32>], vector<16xf32>,
        %mul3A_187 = arith.constant 25 : i32
        %mul3A_188 = arith.muli %scan3A_35, %mul3A_187 : i32
        %add3A_189 = arith.constant 19 : i32
        %add3A_190 = arith.addi %mul3A_188, %add3A_189 : i32
        %mul3A_191 = arith.constant 16 : i32
        %mul3A_192 = arith.muli %add3A_190, %mul3A_191 : i32
        %get3A_193 = arith.index_cast %mul3A_192 : i32 to index
        %get3A_194 = tpu.vector_load %arg6[%get3A_193] {strides = array<i32>} : memref<10000xi32, #tpu.memory_space<vmem>>, vector<16xi32>,
        tpu.vector_store_idx %arg8[%get3A_194], %broadcast_in_dim3A_3 {add = true} : memref<10240xf32, #tpu.memory_space<vmem>>[vector<16xi32>], vector<16xf32>,
        %mul3A_195 = arith.constant 25 : i32
        %mul3A_196 = arith.muli %scan3A_35, %mul3A_195 : i32
        %add3A_197 = arith.constant 20 : i32
        %add3A_198 = arith.addi %mul3A_196, %add3A_197 : i32
        %mul3A_199 = arith.constant 16 : i32
        %mul3A_200 = arith.muli %add3A_198, %mul3A_199 : i32
        %get3A_201 = arith.index_cast %mul3A_200 : i32 to index
        %get3A_202 = tpu.vector_load %arg6[%get3A_201] {strides = array<i32>} : memref<10000xi32, #tpu.memory_space<vmem>>, vector<16xi32>,
        tpu.vector_store_idx %arg8[%get3A_202], %broadcast_in_dim3A_3 {add = true} : memref<10240xf32, #tpu.memory_space<vmem>>[vector<16xi32>], vector<16xf32>,
        %mul3A_203 = arith.constant 25 : i32
        %mul3A_204 = arith.muli %scan3A_35, %mul3A_203 : i32
        %add3A_205 = arith.constant 21 : i32
        %add3A_206 = arith.addi %mul3A_204, %add3A_205 : i32
        %mul3A_207 = arith.constant 16 : i32
        %mul3A_208 = arith.muli %add3A_206, %mul3A_207 : i32
        %get3A_209 = arith.index_cast %mul3A_208 : i32 to index
        %get3A_210 = tpu.vector_load %arg6[%get3A_209] {strides = array<i32>} : memref<10000xi32, #tpu.memory_space<vmem>>, vector<16xi32>,
        tpu.vector_store_idx %arg8[%get3A_210], %broadcast_in_dim3A_3 {add = true} : memref<10240xf32, #tpu.memory_space<vmem>>[vector<16xi32>], vector<16xf32>,
        %mul3A_211 = arith.constant 25 : i32
        %mul3A_212 = arith.muli %scan3A_35, %mul3A_211 : i32
        %add3A_213 = arith.constant 22 : i32
        %add3A_214 = arith.addi %mul3A_212, %add3A_213 : i32
        %mul3A_215 = arith.constant 16 : i32
        %mul3A_216 = arith.muli %add3A_214, %mul3A_215 : i32
        %get3A_217 = arith.index_cast %mul3A_216 : i32 to index
        %get3A_218 = tpu.vector_load %arg6[%get3A_217] {strides = array<i32>} : memref<10000xi32, #tpu.memory_space<vmem>>, vector<16xi32>,
        tpu.vector_store_idx %arg8[%get3A_218], %broadcast_in_dim3A_3 {add = true} : memref<10240xf32, #tpu.memory_space<vmem>>[vector<16xi32>], vector<16xf32>,
        %mul3A_219 = arith.constant 25 : i32
        %mul3A_220 = arith.muli %scan3A_35, %mul3A_219 : i32
        %add3A_221 = arith.constant 23 : i32
        %add3A_222 = arith.addi %mul3A_220, %add3A_221 : i32
        %mul3A_223 = arith.constant 16 : i32
        %mul3A_224 = arith.muli %add3A_222, %mul3A_223 : i32
        %get3A_225 = arith.index_cast %mul3A_224 : i32 to index
        %get3A_226 = tpu.vector_load %arg6[%get3A_225] {strides = array<i32>} : memref<10000xi32, #tpu.memory_space<vmem>>, vector<16xi32>,
        tpu.vector_store_idx %arg8[%get3A_226], %broadcast_in_dim3A_3 {add = true} : memref<10240xf32, #tpu.memory_space<vmem>>[vector<16xi32>], vector<16xf32>,
        %mul3A_227 = arith.constant 25 : i32
        %mul3A_228 = arith.muli %scan3A_35, %mul3A_227 : i32
        %add3A_229 = arith.constant 24 : i32
        %add3A_230 = arith.addi %mul3A_228, %add3A_229 : i32
        %mul3A_231 = arith.constant 16 : i32
        %mul3A_232 = arith.muli %add3A_230, %mul3A_231 : i32
        %get3A_233 = arith.index_cast %mul3A_232 : i32 to index
        %get3A_234 = tpu.vector_load %arg6[%get3A_233] {strides = array<i32>} : memref<10000xi32, #tpu.memory_space<vmem>>, vector<16xi32>,
        tpu.vector_store_idx %arg8[%get3A_234], %broadcast_in_dim3A_3 {add = true} : memref<10240xf32, #tpu.memory_space<vmem>>[vector<16xi32>], vector<16xf32>,
      }
      %scan3A_26 = arith.constant 25 : i32
      %dma_wait3A_27 = tpu.memref_slice %arg2[%add3A_12] : memref<320000xi32, #tpu.memory_space<hbm>> -> memref<10000xi32, #tpu.memory_space<hbm>>
      %dma_wait3A_28 = tpu.memref_slice %arg2[%add3A_12] : memref<320000xi32, #tpu.memory_space<hbm>> -> memref<10000xi32, #tpu.memory_space<hbm>>
      tpu.wait_dma2 semaphore(%arg10 : memref<!tpu.dma_semaphore, #tpu.memory_space<semaphore_mem>>) src(%dma_wait3A_28 : memref<10000xi32, #tpu.memory_space<hbm>>) dst(%arg7 : memref<10000xi32, #tpu.memory_space<vmem>>)
      %scan3A_29 = arith.constant 0 : i32
      %scan3A_30 = arith.constant 0 : i32
      %scan3A_31 = arith.constant 25 : i32
      %scan3A_32 = arith.addi %scan3A_30, %scan3A_31 : i32
      %scan3A_33 = arith.constant 1 : i32
      scf.for %scan3A_35 = %scan3A_30 to %scan3A_32 step %scan3A_33  : i32 {
        %mul3A_36 = arith.constant 25 : i32
        %mul3A_37 = arith.muli %scan3A_35, %mul3A_36 : i32
        %add3A_38 = arith.constant 0 : i32
        %add3A_39 = arith.addi %mul3A_37, %add3A_38 : i32
        %mul3A_40 = arith.constant 16 : i32
        %mul3A_41 = arith.muli %add3A_39, %mul3A_40 : i32
        %get3A = arith.index_cast %mul3A_41 : i32 to index
        %get3A_42 = tpu.vector_load %arg7[%get3A] {strides = array<i32>} : memref<10000xi32, #tpu.memory_space<vmem>>, vector<16xi32>,
        tpu.vector_store_idx %arg8[%get3A_42], %broadcast_in_dim3A_3 {add = true} : memref<10240xf32, #tpu.memory_space<vmem>>[vector<16xi32>], vector<16xf32>,
        %mul3A_43 = arith.constant 25 : i32
        %mul3A_44 = arith.muli %scan3A_35, %mul3A_43 : i32
        %add3A_45 = arith.constant 1 : i32
        %add3A_46 = arith.addi %mul3A_44, %add3A_45 : i32
        %mul3A_47 = arith.constant 16 : i32
        %mul3A_48 = arith.muli %add3A_46, %mul3A_47 : i32
        %get3A_49 = arith.index_cast %mul3A_48 : i32 to index
        %get3A_50 = tpu.vector_load %arg7[%get3A_49] {strides = array<i32>} : memref<10000xi32, #tpu.memory_space<vmem>>, vector<16xi32>,
        tpu.vector_store_idx %arg8[%get3A_50], %broadcast_in_dim3A_3 {add = true} : memref<10240xf32, #tpu.memory_space<vmem>>[vector<16xi32>], vector<16xf32>,
        %mul3A_51 = arith.constant 25 : i32
        %mul3A_52 = arith.muli %scan3A_35, %mul3A_51 : i32
        %add3A_53 = arith.constant 2 : i32
        %add3A_54 = arith.addi %mul3A_52, %add3A_53 : i32
        %mul3A_55 = arith.constant 16 : i32
        %mul3A_56 = arith.muli %add3A_54, %mul3A_55 : i32
        %get3A_57 = arith.index_cast %mul3A_56 : i32 to index
        %get3A_58 = tpu.vector_load %arg7[%get3A_57] {strides = array<i32>} : memref<10000xi32, #tpu.memory_space<vmem>>, vector<16xi32>,
        tpu.vector_store_idx %arg8[%get3A_58], %broadcast_in_dim3A_3 {add = true} : memref<10240xf32, #tpu.memory_space<vmem>>[vector<16xi32>], vector<16xf32>,
        %mul3A_59 = arith.constant 25 : i32
        %mul3A_60 = arith.muli %scan3A_35, %mul3A_59 : i32
        %add3A_61 = arith.constant 3 : i32
        %add3A_62 = arith.addi %mul3A_60, %add3A_61 : i32
        %mul3A_63 = arith.constant 16 : i32
        %mul3A_64 = arith.muli %add3A_62, %mul3A_63 : i32
        %get3A_65 = arith.index_cast %mul3A_64 : i32 to index
        %get3A_66 = tpu.vector_load %arg7[%get3A_65] {strides = array<i32>} : memref<10000xi32, #tpu.memory_space<vmem>>, vector<16xi32>,
        tpu.vector_store_idx %arg8[%get3A_66], %broadcast_in_dim3A_3 {add = true} : memref<10240xf32, #tpu.memory_space<vmem>>[vector<16xi32>], vector<16xf32>,
        %mul3A_67 = arith.constant 25 : i32
        %mul3A_68 = arith.muli %scan3A_35, %mul3A_67 : i32
        %add3A_69 = arith.constant 4 : i32
        %add3A_70 = arith.addi %mul3A_68, %add3A_69 : i32
        %mul3A_71 = arith.constant 16 : i32
        %mul3A_72 = arith.muli %add3A_70, %mul3A_71 : i32
        %get3A_73 = arith.index_cast %mul3A_72 : i32 to index
        %get3A_74 = tpu.vector_load %arg7[%get3A_73] {strides = array<i32>} : memref<10000xi32, #tpu.memory_space<vmem>>, vector<16xi32>,
        tpu.vector_store_idx %arg8[%get3A_74], %broadcast_in_dim3A_3 {add = true} : memref<10240xf32, #tpu.memory_space<vmem>>[vector<16xi32>], vector<16xf32>,
        %mul3A_75 = arith.constant 25 : i32
        %mul3A_76 = arith.muli %scan3A_35, %mul3A_75 : i32
        %add3A_77 = arith.constant 5 : i32
        %add3A_78 = arith.addi %mul3A_76, %add3A_77 : i32
        %mul3A_79 = arith.constant 16 : i32
        %mul3A_80 = arith.muli %add3A_78, %mul3A_79 : i32
        %get3A_81 = arith.index_cast %mul3A_80 : i32 to index
        %get3A_82 = tpu.vector_load %arg7[%get3A_81] {strides = array<i32>} : memref<10000xi32, #tpu.memory_space<vmem>>, vector<16xi32>,
        tpu.vector_store_idx %arg8[%get3A_82], %broadcast_in_dim3A_3 {add = true} : memref<10240xf32, #tpu.memory_space<vmem>>[vector<16xi32>], vector<16xf32>,
        %mul3A_83 = arith.constant 25 : i32
        %mul3A_84 = arith.muli %scan3A_35, %mul3A_83 : i32
        %add3A_85 = arith.constant 6 : i32
        %add3A_86 = arith.addi %mul3A_84, %add3A_85 : i32
        %mul3A_87 = arith.constant 16 : i32
        %mul3A_88 = arith.muli %add3A_86, %mul3A_87 : i32
        %get3A_89 = arith.index_cast %mul3A_88 : i32 to index
        %get3A_90 = tpu.vector_load %arg7[%get3A_89] {strides = array<i32>} : memref<10000xi32, #tpu.memory_space<vmem>>, vector<16xi32>,
        tpu.vector_store_idx %arg8[%get3A_90], %broadcast_in_dim3A_3 {add = true} : memref<10240xf32, #tpu.memory_space<vmem>>[vector<16xi32>], vector<16xf32>,
        %mul3A_91 = arith.constant 25 : i32
        %mul3A_92 = arith.muli %scan3A_35, %mul3A_91 : i32
        %add3A_93 = arith.constant 7 : i32
        %add3A_94 = arith.addi %mul3A_92, %add3A_93 : i32
        %mul3A_95 = arith.constant 16 : i32
        %mul3A_96 = arith.muli %add3A_94, %mul3A_95 : i32
        %get3A_97 = arith.index_cast %mul3A_96 : i32 to index
        %get3A_98 = tpu.vector_load %arg7[%get3A_97] {strides = array<i32>} : memref<10000xi32, #tpu.memory_space<vmem>>, vector<16xi32>,
        tpu.vector_store_idx %arg8[%get3A_98], %broadcast_in_dim3A_3 {add = true} : memref<10240xf32, #tpu.memory_space<vmem>>[vector<16xi32>], vector<16xf32>,
        %mul3A_99 = arith.constant 25 : i32
        %mul3A_100 = arith.muli %scan3A_35, %mul3A_99 : i32
        %add3A_101 = arith.constant 8 : i32
        %add3A_102 = arith.addi %mul3A_100, %add3A_101 : i32
        %mul3A_103 = arith.constant 16 : i32
        %mul3A_104 = arith.muli %add3A_102, %mul3A_103 : i32
        %get3A_105 = arith.index_cast %mul3A_104 : i32 to index
        %get3A_106 = tpu.vector_load %arg7[%get3A_105] {strides = array<i32>} : memref<10000xi32, #tpu.memory_space<vmem>>, vector<16xi32>,
        tpu.vector_store_idx %arg8[%get3A_106], %broadcast_in_dim3A_3 {add = true} : memref<10240xf32, #tpu.memory_space<vmem>>[vector<16xi32>], vector<16xf32>,
        %mul3A_107 = arith.constant 25 : i32
        %mul3A_108 = arith.muli %scan3A_35, %mul3A_107 : i32
        %add3A_109 = arith.constant 9 : i32
        %add3A_110 = arith.addi %mul3A_108, %add3A_109 : i32
        %mul3A_111 = arith.constant 16 : i32
        %mul3A_112 = arith.muli %add3A_110, %mul3A_111 : i32
        %get3A_113 = arith.index_cast %mul3A_112 : i32 to index
        %get3A_114 = tpu.vector_load %arg7[%get3A_113] {strides = array<i32>} : memref<10000xi32, #tpu.memory_space<vmem>>, vector<16xi32>,
        tpu.vector_store_idx %arg8[%get3A_114], %broadcast_in_dim3A_3 {add = true} : memref<10240xf32, #tpu.memory_space<vmem>>[vector<16xi32>], vector<16xf32>,
        %mul3A_115 = arith.constant 25 : i32
        %mul3A_116 = arith.muli %scan3A_35, %mul3A_115 : i32
        %add3A_117 = arith.constant 10 : i32
        %add3A_118 = arith.addi %mul3A_116, %add3A_117 : i32
        %mul3A_119 = arith.constant 16 : i32
        %mul3A_120 = arith.muli %add3A_118, %mul3A_119 : i32
        %get3A_121 = arith.index_cast %mul3A_120 : i32 to index
        %get3A_122 = tpu.vector_load %arg7[%get3A_121] {strides = array<i32>} : memref<10000xi32, #tpu.memory_space<vmem>>, vector<16xi32>,
        tpu.vector_store_idx %arg8[%get3A_122], %broadcast_in_dim3A_3 {add = true} : memref<10240xf32, #tpu.memory_space<vmem>>[vector<16xi32>], vector<16xf32>,
        %mul3A_123 = arith.constant 25 : i32
        %mul3A_124 = arith.muli %scan3A_35, %mul3A_123 : i32
        %add3A_125 = arith.constant 11 : i32
        %add3A_126 = arith.addi %mul3A_124, %add3A_125 : i32
        %mul3A_127 = arith.constant 16 : i32
        %mul3A_128 = arith.muli %add3A_126, %mul3A_127 : i32
        %get3A_129 = arith.index_cast %mul3A_128 : i32 to index
        %get3A_130 = tpu.vector_load %arg7[%get3A_129] {strides = array<i32>} : memref<10000xi32, #tpu.memory_space<vmem>>, vector<16xi32>,
        tpu.vector_store_idx %arg8[%get3A_130], %broadcast_in_dim3A_3 {add = true} : memref<10240xf32, #tpu.memory_space<vmem>>[vector<16xi32>], vector<16xf32>,
        %mul3A_131 = arith.constant 25 : i32
        %mul3A_132 = arith.muli %scan3A_35, %mul3A_131 : i32
        %add3A_133 = arith.constant 12 : i32
        %add3A_134 = arith.addi %mul3A_132, %add3A_133 : i32
        %mul3A_135 = arith.constant 16 : i32
        %mul3A_136 = arith.muli %add3A_134, %mul3A_135 : i32
        %get3A_137 = arith.index_cast %mul3A_136 : i32 to index
        %get3A_138 = tpu.vector_load %arg7[%get3A_137] {strides = array<i32>} : memref<10000xi32, #tpu.memory_space<vmem>>, vector<16xi32>,
        tpu.vector_store_idx %arg8[%get3A_138], %broadcast_in_dim3A_3 {add = true} : memref<10240xf32, #tpu.memory_space<vmem>>[vector<16xi32>], vector<16xf32>,
        %mul3A_139 = arith.constant 25 : i32
        %mul3A_140 = arith.muli %scan3A_35, %mul3A_139 : i32
        %add3A_141 = arith.constant 13 : i32
        %add3A_142 = arith.addi %mul3A_140, %add3A_141 : i32
        %mul3A_143 = arith.constant 16 : i32
        %mul3A_144 = arith.muli %add3A_142, %mul3A_143 : i32
        %get3A_145 = arith.index_cast %mul3A_144 : i32 to index
        %get3A_146 = tpu.vector_load %arg7[%get3A_145] {strides = array<i32>} : memref<10000xi32, #tpu.memory_space<vmem>>, vector<16xi32>,
        tpu.vector_store_idx %arg8[%get3A_146], %broadcast_in_dim3A_3 {add = true} : memref<10240xf32, #tpu.memory_space<vmem>>[vector<16xi32>], vector<16xf32>,
        %mul3A_147 = arith.constant 25 : i32
        %mul3A_148 = arith.muli %scan3A_35, %mul3A_147 : i32
        %add3A_149 = arith.constant 14 : i32
        %add3A_150 = arith.addi %mul3A_148, %add3A_149 : i32
        %mul3A_151 = arith.constant 16 : i32
        %mul3A_152 = arith.muli %add3A_150, %mul3A_151 : i32
        %get3A_153 = arith.index_cast %mul3A_152 : i32 to index
        %get3A_154 = tpu.vector_load %arg7[%get3A_153] {strides = array<i32>} : memref<10000xi32, #tpu.memory_space<vmem>>, vector<16xi32>,
        tpu.vector_store_idx %arg8[%get3A_154], %broadcast_in_dim3A_3 {add = true} : memref<10240xf32, #tpu.memory_space<vmem>>[vector<16xi32>], vector<16xf32>,
        %mul3A_155 = arith.constant 25 : i32
        %mul3A_156 = arith.muli %scan3A_35, %mul3A_155 : i32
        %add3A_157 = arith.constant 15 : i32
        %add3A_158 = arith.addi %mul3A_156, %add3A_157 : i32
        %mul3A_159 = arith.constant 16 : i32
        %mul3A_160 = arith.muli %add3A_158, %mul3A_159 : i32
        %get3A_161 = arith.index_cast %mul3A_160 : i32 to index
        %get3A_162 = tpu.vector_load %arg7[%get3A_161] {strides = array<i32>} : memref<10000xi32, #tpu.memory_space<vmem>>, vector<16xi32>,
        tpu.vector_store_idx %arg8[%get3A_162], %broadcast_in_dim3A_3 {add = true} : memref<10240xf32, #tpu.memory_space<vmem>>[vector<16xi32>], vector<16xf32>,
        %mul3A_163 = arith.constant 25 : i32
        %mul3A_164 = arith.muli %scan3A_35, %mul3A_163 : i32
        %add3A_165 = arith.constant 16 : i32
        %add3A_166 = arith.addi %mul3A_164, %add3A_165 : i32
        %mul3A_167 = arith.constant 16 : i32
        %mul3A_168 = arith.muli %add3A_166, %mul3A_167 : i32
        %get3A_169 = arith.index_cast %mul3A_168 : i32 to index
        %get3A_170 = tpu.vector_load %arg7[%get3A_169] {strides = array<i32>} : memref<10000xi32, #tpu.memory_space<vmem>>, vector<16xi32>,
        tpu.vector_store_idx %arg8[%get3A_170], %broadcast_in_dim3A_3 {add = true} : memref<10240xf32, #tpu.memory_space<vmem>>[vector<16xi32>], vector<16xf32>,
        %mul3A_171 = arith.constant 25 : i32
        %mul3A_172 = arith.muli %scan3A_35, %mul3A_171 : i32
        %add3A_173 = arith.constant 17 : i32
        %add3A_174 = arith.addi %mul3A_172, %add3A_173 : i32
        %mul3A_175 = arith.constant 16 : i32
        %mul3A_176 = arith.muli %add3A_174, %mul3A_175 : i32
        %get3A_177 = arith.index_cast %mul3A_176 : i32 to index
        %get3A_178 = tpu.vector_load %arg7[%get3A_177] {strides = array<i32>} : memref<10000xi32, #tpu.memory_space<vmem>>, vector<16xi32>,
        tpu.vector_store_idx %arg8[%get3A_178], %broadcast_in_dim3A_3 {add = true} : memref<10240xf32, #tpu.memory_space<vmem>>[vector<16xi32>], vector<16xf32>,
        %mul3A_179 = arith.constant 25 : i32
        %mul3A_180 = arith.muli %scan3A_35, %mul3A_179 : i32
        %add3A_181 = arith.constant 18 : i32
        %add3A_182 = arith.addi %mul3A_180, %add3A_181 : i32
        %mul3A_183 = arith.constant 16 : i32
        %mul3A_184 = arith.muli %add3A_182, %mul3A_183 : i32
        %get3A_185 = arith.index_cast %mul3A_184 : i32 to index
        %get3A_186 = tpu.vector_load %arg7[%get3A_185] {strides = array<i32>} : memref<10000xi32, #tpu.memory_space<vmem>>, vector<16xi32>,
        tpu.vector_store_idx %arg8[%get3A_186], %broadcast_in_dim3A_3 {add = true} : memref<10240xf32, #tpu.memory_space<vmem>>[vector<16xi32>], vector<16xf32>,
        %mul3A_187 = arith.constant 25 : i32
        %mul3A_188 = arith.muli %scan3A_35, %mul3A_187 : i32
        %add3A_189 = arith.constant 19 : i32
        %add3A_190 = arith.addi %mul3A_188, %add3A_189 : i32
        %mul3A_191 = arith.constant 16 : i32
        %mul3A_192 = arith.muli %add3A_190, %mul3A_191 : i32
        %get3A_193 = arith.index_cast %mul3A_192 : i32 to index
        %get3A_194 = tpu.vector_load %arg7[%get3A_193] {strides = array<i32>} : memref<10000xi32, #tpu.memory_space<vmem>>, vector<16xi32>,
        tpu.vector_store_idx %arg8[%get3A_194], %broadcast_in_dim3A_3 {add = true} : memref<10240xf32, #tpu.memory_space<vmem>>[vector<16xi32>], vector<16xf32>,
        %mul3A_195 = arith.constant 25 : i32
        %mul3A_196 = arith.muli %scan3A_35, %mul3A_195 : i32
        %add3A_197 = arith.constant 20 : i32
        %add3A_198 = arith.addi %mul3A_196, %add3A_197 : i32
        %mul3A_199 = arith.constant 16 : i32
        %mul3A_200 = arith.muli %add3A_198, %mul3A_199 : i32
        %get3A_201 = arith.index_cast %mul3A_200 : i32 to index
        %get3A_202 = tpu.vector_load %arg7[%get3A_201] {strides = array<i32>} : memref<10000xi32, #tpu.memory_space<vmem>>, vector<16xi32>,
        tpu.vector_store_idx %arg8[%get3A_202], %broadcast_in_dim3A_3 {add = true} : memref<10240xf32, #tpu.memory_space<vmem>>[vector<16xi32>], vector<16xf32>,
        %mul3A_203 = arith.constant 25 : i32
        %mul3A_204 = arith.muli %scan3A_35, %mul3A_203 : i32
        %add3A_205 = arith.constant 21 : i32
        %add3A_206 = arith.addi %mul3A_204, %add3A_205 : i32
        %mul3A_207 = arith.constant 16 : i32
        %mul3A_208 = arith.muli %add3A_206, %mul3A_207 : i32
        %get3A_209 = arith.index_cast %mul3A_208 : i32 to index
        %get3A_210 = tpu.vector_load %arg7[%get3A_209] {strides = array<i32>} : memref<10000xi32, #tpu.memory_space<vmem>>, vector<16xi32>,
        tpu.vector_store_idx %arg8[%get3A_210], %broadcast_in_dim3A_3 {add = true} : memref<10240xf32, #tpu.memory_space<vmem>>[vector<16xi32>], vector<16xf32>,
        %mul3A_211 = arith.constant 25 : i32
        %mul3A_212 = arith.muli %scan3A_35, %mul3A_211 : i32
        %add3A_213 = arith.constant 22 : i32
        %add3A_214 = arith.addi %mul3A_212, %add3A_213 : i32
        %mul3A_215 = arith.constant 16 : i32
        %mul3A_216 = arith.muli %add3A_214, %mul3A_215 : i32
        %get3A_217 = arith.index_cast %mul3A_216 : i32 to index
        %get3A_218 = tpu.vector_load %arg7[%get3A_217] {strides = array<i32>} : memref<10000xi32, #tpu.memory_space<vmem>>, vector<16xi32>,
        tpu.vector_store_idx %arg8[%get3A_218], %broadcast_in_dim3A_3 {add = true} : memref<10240xf32, #tpu.memory_space<vmem>>[vector<16xi32>], vector<16xf32>,
        %mul3A_219 = arith.constant 25 : i32
        %mul3A_220 = arith.muli %scan3A_35, %mul3A_219 : i32
        %add3A_221 = arith.constant 23 : i32
        %add3A_222 = arith.addi %mul3A_220, %add3A_221 : i32
        %mul3A_223 = arith.constant 16 : i32
        %mul3A_224 = arith.muli %add3A_222, %mul3A_223 : i32
        %get3A_225 = arith.index_cast %mul3A_224 : i32 to index
        %get3A_226 = tpu.vector_load %arg7[%get3A_225] {strides = array<i32>} : memref<10000xi32, #tpu.memory_space<vmem>>, vector<16xi32>,
        tpu.vector_store_idx %arg8[%get3A_226], %broadcast_in_dim3A_3 {add = true} : memref<10240xf32, #tpu.memory_space<vmem>>[vector<16xi32>], vector<16xf32>,
        %mul3A_227 = arith.constant 25 : i32
        %mul3A_228 = arith.muli %scan3A_35, %mul3A_227 : i32
        %add3A_229 = arith.constant 24 : i32
        %add3A_230 = arith.addi %mul3A_228, %add3A_229 : i32
        %mul3A_231 = arith.constant 16 : i32
        %mul3A_232 = arith.muli %add3A_230, %mul3A_231 : i32
        %get3A_233 = arith.index_cast %mul3A_232 : i32 to index
        %get3A_234 = tpu.vector_load %arg7[%get3A_233] {strides = array<i32>} : memref<10000xi32, #tpu.memory_space<vmem>>, vector<16xi32>,
        tpu.vector_store_idx %arg8[%get3A_234], %broadcast_in_dim3A_3 {add = true} : memref<10240xf32, #tpu.memory_space<vmem>>[vector<16xi32>], vector<16xf32>,
      }
      %scan3A_34 = arith.constant 25 : i32
      "tpu.region"() ({
        %run_scoped3A = tpu.sem_alloc : memref<!tpu.dma_semaphore, #tpu.memory_space<semaphore_mem>>
        %dma_start3A_35 = arith.constant 0 : i32
        %dma_start3A_36 = tpu.memref_slice %arg4[%arg1, %dma_start3A_35] : memref<16x10240xf32, #tpu.memory_space<hbm>> -> memref<1x10240xf32, #tpu.memory_space<hbm>>
        %dma_start3A_37 = tpu.memref_squeeze %dma_start3A_36 : memref<1x10240xf32, #tpu.memory_space<hbm>> -> memref<10240xf32, #tpu.memory_space<hbm>>
        %dma_start3A_38 = arith.constant 0 : i32
        %dma_start3A_39 = tpu.memref_slice %arg4[%arg1, %dma_start3A_38] : memref<16x10240xf32, #tpu.memory_space<hbm>> -> memref<1x10240xf32, #tpu.memory_space<hbm>>
        %dma_start3A_40 = tpu.memref_squeeze %dma_start3A_39 : memref<1x10240xf32, #tpu.memory_space<hbm>> -> memref<10240xf32, #tpu.memory_space<hbm>>
        tpu.enqueue_dma source(%arg8 : memref<10240xf32, #tpu.memory_space<vmem>>) target(%dma_start3A_40 : memref<10240xf32, #tpu.memory_space<hbm>>) target_semaphore(%run_scoped3A : memref<!tpu.dma_semaphore, #tpu.memory_space<semaphore_mem>>)
        %dma_wait3A_41 = arith.constant 0 : i32
        %dma_wait3A_42 = tpu.memref_slice %arg4[%arg1, %dma_wait3A_41] : memref<16x10240xf32, #tpu.memory_space<hbm>> -> memref<1x10240xf32, #tpu.memory_space<hbm>>
        %dma_wait3A_43 = tpu.memref_squeeze %dma_wait3A_42 : memref<1x10240xf32, #tpu.memory_space<hbm>> -> memref<10240xf32, #tpu.memory_space<hbm>>
        %dma_wait3A_44 = arith.constant 0 : i32
        %dma_wait3A_45 = tpu.memref_slice %arg4[%arg1, %dma_wait3A_44] : memref<16x10240xf32, #tpu.memory_space<hbm>> -> memref<1x10240xf32, #tpu.memory_space<hbm>>
        %dma_wait3A_46 = tpu.memref_squeeze %dma_wait3A_45 : memref<1x10240xf32, #tpu.memory_space<hbm>> -> memref<10240xf32, #tpu.memory_space<hbm>>
        tpu.wait_dma2 semaphore(%run_scoped3A : memref<!tpu.dma_semaphore, #tpu.memory_space<semaphore_mem>>) src(%arg8 : memref<10240xf32, #tpu.memory_space<vmem>>) dst(%dma_wait3A_46 : memref<10240xf32, #tpu.memory_space<hbm>>)
        tpu.yield
      }) : () -> ()
    } else {
    }
    %eq3A_6 = arith.constant 1 : i32
    %eq3A_7 = arith.cmpi eq, %arg0, %eq3A_6 : i32
    %convert_element_type3A_8 = arith.extui %eq3A_7 : i1 to i32
    %cond3A_9 = arith.constant 0 : i32
    %cond3A_10 = arith.cmpi ne, %convert_element_type3A_8, %cond3A_9 : i32
    scf.if %cond3A_10 {
      %dma_start3A = tpu.memref_slice %arg3[%mul3A_0] : memref<320000xi32, #tpu.memory_space<hbm>> -> memref<10000xi32, #tpu.memory_space<hbm>>
      %dma_start3A_11 = tpu.memref_slice %arg3[%mul3A_0] : memref<320000xi32, #tpu.memory_space<hbm>> -> memref<10000xi32, #tpu.memory_space<hbm>>
      tpu.enqueue_dma source(%dma_start3A_11 : memref<10000xi32, #tpu.memory_space<hbm>>) target(%arg6 : memref<10000xi32, #tpu.memory_space<vmem>>) target_semaphore(%arg9 : memref<!tpu.dma_semaphore, #tpu.memory_space<semaphore_mem>>)
      %add3A = arith.constant 10000 : i32
      %add3A_12 = arith.addi %mul3A_0, %add3A : i32
      %dma_start3A_13 = tpu.memref_slice %arg3[%add3A_12] : memref<320000xi32, #tpu.memory_space<hbm>> -> memref<10000xi32, #tpu.memory_space<hbm>>
      %dma_start3A_14 = tpu.memref_slice %arg3[%add3A_12] : memref<320000xi32, #tpu.memory_space<hbm>> -> memref<10000xi32, #tpu.memory_space<hbm>>
      tpu.enqueue_dma source(%dma_start3A_14 : memref<10000xi32, #tpu.memory_space<hbm>>) target(%arg7 : memref<10000xi32, #tpu.memory_space<vmem>>) target_semaphore(%arg10 : memref<!tpu.dma_semaphore, #tpu.memory_space<semaphore_mem>>)
      %scan3A = arith.constant 0 : i32
      %scan3A_15 = arith.constant 0 : i32
      %scan3A_16 = arith.constant 80 : i32
      %scan3A_17 = arith.addi %scan3A_15, %scan3A_16 : i32
      %scan3A_18 = arith.constant 1 : i32
      scf.for %scan3A_35 = %scan3A_15 to %scan3A_17 step %scan3A_18  : i32 {
        %mul3A_36 = arith.constant 8 : i32
        %mul3A_37 = arith.muli %scan3A_35, %mul3A_36 : i32
        %add3A_38 = arith.constant 0 : i32
        %add3A_39 = arith.addi %mul3A_37, %add3A_38 : i32
        %mul3A_40 = arith.constant 16 : i32
        %mul3A_41 = arith.muli %add3A_39, %mul3A_40 : i32
        %swap3A = arith.index_cast %mul3A_41 : i32 to index
        %swap3A_42 = tpu.vector_load %arg8[%swap3A] {strides = array<i32>} : memref<10240xf32, #tpu.memory_space<vmem>>, vector<16xf32>,
        tpu.vector_store %arg8[%swap3A], %broadcast_in_dim3A_1 {strides = array<i32>} : memref<10240xf32, #tpu.memory_space<vmem>>, vector<16xf32>,
        %mul3A_43 = arith.constant 8 : i32
        %mul3A_44 = arith.muli %scan3A_35, %mul3A_43 : i32
        %add3A_45 = arith.constant 1 : i32
        %add3A_46 = arith.addi %mul3A_44, %add3A_45 : i32
        %mul3A_47 = arith.constant 16 : i32
        %mul3A_48 = arith.muli %add3A_46, %mul3A_47 : i32
        %swap3A_49 = arith.index_cast %mul3A_48 : i32 to index
        %swap3A_50 = tpu.vector_load %arg8[%swap3A_49] {strides = array<i32>} : memref<10240xf32, #tpu.memory_space<vmem>>, vector<16xf32>,
        tpu.vector_store %arg8[%swap3A_49], %broadcast_in_dim3A_1 {strides = array<i32>} : memref<10240xf32, #tpu.memory_space<vmem>>, vector<16xf32>,
        %mul3A_51 = arith.constant 8 : i32
        %mul3A_52 = arith.muli %scan3A_35, %mul3A_51 : i32
        %add3A_53 = arith.constant 2 : i32
        %add3A_54 = arith.addi %mul3A_52, %add3A_53 : i32
        %mul3A_55 = arith.constant 16 : i32
        %mul3A_56 = arith.muli %add3A_54, %mul3A_55 : i32
        %swap3A_57 = arith.index_cast %mul3A_56 : i32 to index
        %swap3A_58 = tpu.vector_load %arg8[%swap3A_57] {strides = array<i32>} : memref<10240xf32, #tpu.memory_space<vmem>>, vector<16xf32>,
        tpu.vector_store %arg8[%swap3A_57], %broadcast_in_dim3A_1 {strides = array<i32>} : memref<10240xf32, #tpu.memory_space<vmem>>, vector<16xf32>,
        %mul3A_59 = arith.constant 8 : i32
        %mul3A_60 = arith.muli %scan3A_35, %mul3A_59 : i32
        %add3A_61 = arith.constant 3 : i32
        %add3A_62 = arith.addi %mul3A_60, %add3A_61 : i32
        %mul3A_63 = arith.constant 16 : i32
        %mul3A_64 = arith.muli %add3A_62, %mul3A_63 : i32
        %swap3A_65 = arith.index_cast %mul3A_64 : i32 to index
        %swap3A_66 = tpu.vector_load %arg8[%swap3A_65] {strides = array<i32>} : memref<10240xf32, #tpu.memory_space<vmem>>, vector<16xf32>,
        tpu.vector_store %arg8[%swap3A_65], %broadcast_in_dim3A_1 {strides = array<i32>} : memref<10240xf32, #tpu.memory_space<vmem>>, vector<16xf32>,
        %mul3A_67 = arith.constant 8 : i32
        %mul3A_68 = arith.muli %scan3A_35, %mul3A_67 : i32
        %add3A_69 = arith.constant 4 : i32
        %add3A_70 = arith.addi %mul3A_68, %add3A_69 : i32
        %mul3A_71 = arith.constant 16 : i32
        %mul3A_72 = arith.muli %add3A_70, %mul3A_71 : i32
        %swap3A_73 = arith.index_cast %mul3A_72 : i32 to index
        %swap3A_74 = tpu.vector_load %arg8[%swap3A_73] {strides = array<i32>} : memref<10240xf32, #tpu.memory_space<vmem>>, vector<16xf32>,
        tpu.vector_store %arg8[%swap3A_73], %broadcast_in_dim3A_1 {strides = array<i32>} : memref<10240xf32, #tpu.memory_space<vmem>>, vector<16xf32>,
        %mul3A_75 = arith.constant 8 : i32
        %mul3A_76 = arith.muli %scan3A_35, %mul3A_75 : i32
        %add3A_77 = arith.constant 5 : i32
        %add3A_78 = arith.addi %mul3A_76, %add3A_77 : i32
        %mul3A_79 = arith.constant 16 : i32
        %mul3A_80 = arith.muli %add3A_78, %mul3A_79 : i32
        %swap3A_81 = arith.index_cast %mul3A_80 : i32 to index
        %swap3A_82 = tpu.vector_load %arg8[%swap3A_81] {strides = array<i32>} : memref<10240xf32, #tpu.memory_space<vmem>>, vector<16xf32>,
        tpu.vector_store %arg8[%swap3A_81], %broadcast_in_dim3A_1 {strides = array<i32>} : memref<10240xf32, #tpu.memory_space<vmem>>, vector<16xf32>,
        %mul3A_83 = arith.constant 8 : i32
        %mul3A_84 = arith.muli %scan3A_35, %mul3A_83 : i32
        %add3A_85 = arith.constant 6 : i32
        %add3A_86 = arith.addi %mul3A_84, %add3A_85 : i32
        %mul3A_87 = arith.constant 16 : i32
        %mul3A_88 = arith.muli %add3A_86, %mul3A_87 : i32
        %swap3A_89 = arith.index_cast %mul3A_88 : i32 to index
        %swap3A_90 = tpu.vector_load %arg8[%swap3A_89] {strides = array<i32>} : memref<10240xf32, #tpu.memory_space<vmem>>, vector<16xf32>,
        tpu.vector_store %arg8[%swap3A_89], %broadcast_in_dim3A_1 {strides = array<i32>} : memref<10240xf32, #tpu.memory_space<vmem>>, vector<16xf32>,
        %mul3A_91 = arith.constant 8 : i32
        %mul3A_92 = arith.muli %scan3A_35, %mul3A_91 : i32
        %add3A_93 = arith.constant 7 : i32
        %add3A_94 = arith.addi %mul3A_92, %add3A_93 : i32
        %mul3A_95 = arith.constant 16 : i32
        %mul3A_96 = arith.muli %add3A_94, %mul3A_95 : i32
        %swap3A_97 = arith.index_cast %mul3A_96 : i32 to index
        %swap3A_98 = tpu.vector_load %arg8[%swap3A_97] {strides = array<i32>} : memref<10240xf32, #tpu.memory_space<vmem>>, vector<16xf32>,
        tpu.vector_store %arg8[%swap3A_97], %broadcast_in_dim3A_1 {strides = array<i32>} : memref<10240xf32, #tpu.memory_space<vmem>>, vector<16xf32>,
      }
      %scan3A_19 = arith.constant 80 : i32
      %dma_wait3A = tpu.memref_slice %arg3[%mul3A_0] : memref<320000xi32, #tpu.memory_space<hbm>> -> memref<10000xi32, #tpu.memory_space<hbm>>
      %dma_wait3A_20 = tpu.memref_slice %arg3[%mul3A_0] : memref<320000xi32, #tpu.memory_space<hbm>> -> memref<10000xi32, #tpu.memory_space<hbm>>
      tpu.wait_dma2 semaphore(%arg9 : memref<!tpu.dma_semaphore, #tpu.memory_space<semaphore_mem>>) src(%dma_wait3A_20 : memref<10000xi32, #tpu.memory_space<hbm>>) dst(%arg6 : memref<10000xi32, #tpu.memory_space<vmem>>)
      %scan3A_21 = arith.constant 0 : i32
      %scan3A_22 = arith.constant 0 : i32
      %scan3A_23 = arith.constant 25 : i32
      %scan3A_24 = arith.addi %scan3A_22, %scan3A_23 : i32
      %scan3A_25 = arith.constant 1 : i32
      scf.for %scan3A_35 = %scan3A_22 to %scan3A_24 step %scan3A_25  : i32 {
        %mul3A_36 = arith.constant 25 : i32
        %mul3A_37 = arith.muli %scan3A_35, %mul3A_36 : i32
        %add3A_38 = arith.constant 0 : i32
        %add3A_39 = arith.addi %mul3A_37, %add3A_38 : i32
        %mul3A_40 = arith.constant 16 : i32
        %mul3A_41 = arith.muli %add3A_39, %mul3A_40 : i32
        %get3A = arith.index_cast %mul3A_41 : i32 to index
        %get3A_42 = tpu.vector_load %arg6[%get3A] {strides = array<i32>} : memref<10000xi32, #tpu.memory_space<vmem>>, vector<16xi32>,
        tpu.vector_store_idx %arg8[%get3A_42], %broadcast_in_dim3A_3 {add = true} : memref<10240xf32, #tpu.memory_space<vmem>>[vector<16xi32>], vector<16xf32>,
        %mul3A_43 = arith.constant 25 : i32
        %mul3A_44 = arith.muli %scan3A_35, %mul3A_43 : i32
        %add3A_45 = arith.constant 1 : i32
        %add3A_46 = arith.addi %mul3A_44, %add3A_45 : i32
        %mul3A_47 = arith.constant 16 : i32
        %mul3A_48 = arith.muli %add3A_46, %mul3A_47 : i32
        %get3A_49 = arith.index_cast %mul3A_48 : i32 to index
        %get3A_50 = tpu.vector_load %arg6[%get3A_49] {strides = array<i32>} : memref<10000xi32, #tpu.memory_space<vmem>>, vector<16xi32>,
        tpu.vector_store_idx %arg8[%get3A_50], %broadcast_in_dim3A_3 {add = true} : memref<10240xf32, #tpu.memory_space<vmem>>[vector<16xi32>], vector<16xf32>,
        %mul3A_51 = arith.constant 25 : i32
        %mul3A_52 = arith.muli %scan3A_35, %mul3A_51 : i32
        %add3A_53 = arith.constant 2 : i32
        %add3A_54 = arith.addi %mul3A_52, %add3A_53 : i32
        %mul3A_55 = arith.constant 16 : i32
        %mul3A_56 = arith.muli %add3A_54, %mul3A_55 : i32
        %get3A_57 = arith.index_cast %mul3A_56 : i32 to index
        %get3A_58 = tpu.vector_load %arg6[%get3A_57] {strides = array<i32>} : memref<10000xi32, #tpu.memory_space<vmem>>, vector<16xi32>,
        tpu.vector_store_idx %arg8[%get3A_58], %broadcast_in_dim3A_3 {add = true} : memref<10240xf32, #tpu.memory_space<vmem>>[vector<16xi32>], vector<16xf32>,
        %mul3A_59 = arith.constant 25 : i32
        %mul3A_60 = arith.muli %scan3A_35, %mul3A_59 : i32
        %add3A_61 = arith.constant 3 : i32
        %add3A_62 = arith.addi %mul3A_60, %add3A_61 : i32
        %mul3A_63 = arith.constant 16 : i32
        %mul3A_64 = arith.muli %add3A_62, %mul3A_63 : i32
        %get3A_65 = arith.index_cast %mul3A_64 : i32 to index
        %get3A_66 = tpu.vector_load %arg6[%get3A_65] {strides = array<i32>} : memref<10000xi32, #tpu.memory_space<vmem>>, vector<16xi32>,
        tpu.vector_store_idx %arg8[%get3A_66], %broadcast_in_dim3A_3 {add = true} : memref<10240xf32, #tpu.memory_space<vmem>>[vector<16xi32>], vector<16xf32>,
        %mul3A_67 = arith.constant 25 : i32
        %mul3A_68 = arith.muli %scan3A_35, %mul3A_67 : i32
        %add3A_69 = arith.constant 4 : i32
        %add3A_70 = arith.addi %mul3A_68, %add3A_69 : i32
        %mul3A_71 = arith.constant 16 : i32
        %mul3A_72 = arith.muli %add3A_70, %mul3A_71 : i32
        %get3A_73 = arith.index_cast %mul3A_72 : i32 to index
        %get3A_74 = tpu.vector_load %arg6[%get3A_73] {strides = array<i32>} : memref<10000xi32, #tpu.memory_space<vmem>>, vector<16xi32>,
        tpu.vector_store_idx %arg8[%get3A_74], %broadcast_in_dim3A_3 {add = true} : memref<10240xf32, #tpu.memory_space<vmem>>[vector<16xi32>], vector<16xf32>,
        %mul3A_75 = arith.constant 25 : i32
        %mul3A_76 = arith.muli %scan3A_35, %mul3A_75 : i32
        %add3A_77 = arith.constant 5 : i32
        %add3A_78 = arith.addi %mul3A_76, %add3A_77 : i32
        %mul3A_79 = arith.constant 16 : i32
        %mul3A_80 = arith.muli %add3A_78, %mul3A_79 : i32
        %get3A_81 = arith.index_cast %mul3A_80 : i32 to index
        %get3A_82 = tpu.vector_load %arg6[%get3A_81] {strides = array<i32>} : memref<10000xi32, #tpu.memory_space<vmem>>, vector<16xi32>,
        tpu.vector_store_idx %arg8[%get3A_82], %broadcast_in_dim3A_3 {add = true} : memref<10240xf32, #tpu.memory_space<vmem>>[vector<16xi32>], vector<16xf32>,
        %mul3A_83 = arith.constant 25 : i32
        %mul3A_84 = arith.muli %scan3A_35, %mul3A_83 : i32
        %add3A_85 = arith.constant 6 : i32
        %add3A_86 = arith.addi %mul3A_84, %add3A_85 : i32
        %mul3A_87 = arith.constant 16 : i32
        %mul3A_88 = arith.muli %add3A_86, %mul3A_87 : i32
        %get3A_89 = arith.index_cast %mul3A_88 : i32 to index
        %get3A_90 = tpu.vector_load %arg6[%get3A_89] {strides = array<i32>} : memref<10000xi32, #tpu.memory_space<vmem>>, vector<16xi32>,
        tpu.vector_store_idx %arg8[%get3A_90], %broadcast_in_dim3A_3 {add = true} : memref<10240xf32, #tpu.memory_space<vmem>>[vector<16xi32>], vector<16xf32>,
        %mul3A_91 = arith.constant 25 : i32
        %mul3A_92 = arith.muli %scan3A_35, %mul3A_91 : i32
        %add3A_93 = arith.constant 7 : i32
        %add3A_94 = arith.addi %mul3A_92, %add3A_93 : i32
        %mul3A_95 = arith.constant 16 : i32
        %mul3A_96 = arith.muli %add3A_94, %mul3A_95 : i32
        %get3A_97 = arith.index_cast %mul3A_96 : i32 to index
        %get3A_98 = tpu.vector_load %arg6[%get3A_97] {strides = array<i32>} : memref<10000xi32, #tpu.memory_space<vmem>>, vector<16xi32>,
        tpu.vector_store_idx %arg8[%get3A_98], %broadcast_in_dim3A_3 {add = true} : memref<10240xf32, #tpu.memory_space<vmem>>[vector<16xi32>], vector<16xf32>,
        %mul3A_99 = arith.constant 25 : i32
        %mul3A_100 = arith.muli %scan3A_35, %mul3A_99 : i32
        %add3A_101 = arith.constant 8 : i32
        %add3A_102 = arith.addi %mul3A_100, %add3A_101 : i32
        %mul3A_103 = arith.constant 16 : i32
        %mul3A_104 = arith.muli %add3A_102, %mul3A_103 : i32
        %get3A_105 = arith.index_cast %mul3A_104 : i32 to index
        %get3A_106 = tpu.vector_load %arg6[%get3A_105] {strides = array<i32>} : memref<10000xi32, #tpu.memory_space<vmem>>, vector<16xi32>,
        tpu.vector_store_idx %arg8[%get3A_106], %broadcast_in_dim3A_3 {add = true} : memref<10240xf32, #tpu.memory_space<vmem>>[vector<16xi32>], vector<16xf32>,
        %mul3A_107 = arith.constant 25 : i32
        %mul3A_108 = arith.muli %scan3A_35, %mul3A_107 : i32
        %add3A_109 = arith.constant 9 : i32
        %add3A_110 = arith.addi %mul3A_108, %add3A_109 : i32
        %mul3A_111 = arith.constant 16 : i32
        %mul3A_112 = arith.muli %add3A_110, %mul3A_111 : i32
        %get3A_113 = arith.index_cast %mul3A_112 : i32 to index
        %get3A_114 = tpu.vector_load %arg6[%get3A_113] {strides = array<i32>} : memref<10000xi32, #tpu.memory_space<vmem>>, vector<16xi32>,
        tpu.vector_store_idx %arg8[%get3A_114], %broadcast_in_dim3A_3 {add = true} : memref<10240xf32, #tpu.memory_space<vmem>>[vector<16xi32>], vector<16xf32>,
        %mul3A_115 = arith.constant 25 : i32
        %mul3A_116 = arith.muli %scan3A_35, %mul3A_115 : i32
        %add3A_117 = arith.constant 10 : i32
        %add3A_118 = arith.addi %mul3A_116, %add3A_117 : i32
        %mul3A_119 = arith.constant 16 : i32
        %mul3A_120 = arith.muli %add3A_118, %mul3A_119 : i32
        %get3A_121 = arith.index_cast %mul3A_120 : i32 to index
        %get3A_122 = tpu.vector_load %arg6[%get3A_121] {strides = array<i32>} : memref<10000xi32, #tpu.memory_space<vmem>>, vector<16xi32>,
        tpu.vector_store_idx %arg8[%get3A_122], %broadcast_in_dim3A_3 {add = true} : memref<10240xf32, #tpu.memory_space<vmem>>[vector<16xi32>], vector<16xf32>,
        %mul3A_123 = arith.constant 25 : i32
        %mul3A_124 = arith.muli %scan3A_35, %mul3A_123 : i32
        %add3A_125 = arith.constant 11 : i32
        %add3A_126 = arith.addi %mul3A_124, %add3A_125 : i32
        %mul3A_127 = arith.constant 16 : i32
        %mul3A_128 = arith.muli %add3A_126, %mul3A_127 : i32
        %get3A_129 = arith.index_cast %mul3A_128 : i32 to index
        %get3A_130 = tpu.vector_load %arg6[%get3A_129] {strides = array<i32>} : memref<10000xi32, #tpu.memory_space<vmem>>, vector<16xi32>,
        tpu.vector_store_idx %arg8[%get3A_130], %broadcast_in_dim3A_3 {add = true} : memref<10240xf32, #tpu.memory_space<vmem>>[vector<16xi32>], vector<16xf32>,
        %mul3A_131 = arith.constant 25 : i32
        %mul3A_132 = arith.muli %scan3A_35, %mul3A_131 : i32
        %add3A_133 = arith.constant 12 : i32
        %add3A_134 = arith.addi %mul3A_132, %add3A_133 : i32
        %mul3A_135 = arith.constant 16 : i32
        %mul3A_136 = arith.muli %add3A_134, %mul3A_135 : i32
        %get3A_137 = arith.index_cast %mul3A_136 : i32 to index
        %get3A_138 = tpu.vector_load %arg6[%get3A_137] {strides = array<i32>} : memref<10000xi32, #tpu.memory_space<vmem>>, vector<16xi32>,
        tpu.vector_store_idx %arg8[%get3A_138], %broadcast_in_dim3A_3 {add = true} : memref<10240xf32, #tpu.memory_space<vmem>>[vector<16xi32>], vector<16xf32>,
        %mul3A_139 = arith.constant 25 : i32
        %mul3A_140 = arith.muli %scan3A_35, %mul3A_139 : i32
        %add3A_141 = arith.constant 13 : i32
        %add3A_142 = arith.addi %mul3A_140, %add3A_141 : i32
        %mul3A_143 = arith.constant 16 : i32
        %mul3A_144 = arith.muli %add3A_142, %mul3A_143 : i32
        %get3A_145 = arith.index_cast %mul3A_144 : i32 to index
        %get3A_146 = tpu.vector_load %arg6[%get3A_145] {strides = array<i32>} : memref<10000xi32, #tpu.memory_space<vmem>>, vector<16xi32>,
        tpu.vector_store_idx %arg8[%get3A_146], %broadcast_in_dim3A_3 {add = true} : memref<10240xf32, #tpu.memory_space<vmem>>[vector<16xi32>], vector<16xf32>,
        %mul3A_147 = arith.constant 25 : i32
        %mul3A_148 = arith.muli %scan3A_35, %mul3A_147 : i32
        %add3A_149 = arith.constant 14 : i32
        %add3A_150 = arith.addi %mul3A_148, %add3A_149 : i32
        %mul3A_151 = arith.constant 16 : i32
        %mul3A_152 = arith.muli %add3A_150, %mul3A_151 : i32
        %get3A_153 = arith.index_cast %mul3A_152 : i32 to index
        %get3A_154 = tpu.vector_load %arg6[%get3A_153] {strides = array<i32>} : memref<10000xi32, #tpu.memory_space<vmem>>, vector<16xi32>,
        tpu.vector_store_idx %arg8[%get3A_154], %broadcast_in_dim3A_3 {add = true} : memref<10240xf32, #tpu.memory_space<vmem>>[vector<16xi32>], vector<16xf32>,
        %mul3A_155 = arith.constant 25 : i32
        %mul3A_156 = arith.muli %scan3A_35, %mul3A_155 : i32
        %add3A_157 = arith.constant 15 : i32
        %add3A_158 = arith.addi %mul3A_156, %add3A_157 : i32
        %mul3A_159 = arith.constant 16 : i32
        %mul3A_160 = arith.muli %add3A_158, %mul3A_159 : i32
        %get3A_161 = arith.index_cast %mul3A_160 : i32 to index
        %get3A_162 = tpu.vector_load %arg6[%get3A_161] {strides = array<i32>} : memref<10000xi32, #tpu.memory_space<vmem>>, vector<16xi32>,
        tpu.vector_store_idx %arg8[%get3A_162], %broadcast_in_dim3A_3 {add = true} : memref<10240xf32, #tpu.memory_space<vmem>>[vector<16xi32>], vector<16xf32>,
        %mul3A_163 = arith.constant 25 : i32
        %mul3A_164 = arith.muli %scan3A_35, %mul3A_163 : i32
        %add3A_165 = arith.constant 16 : i32
        %add3A_166 = arith.addi %mul3A_164, %add3A_165 : i32
        %mul3A_167 = arith.constant 16 : i32
        %mul3A_168 = arith.muli %add3A_166, %mul3A_167 : i32
        %get3A_169 = arith.index_cast %mul3A_168 : i32 to index
        %get3A_170 = tpu.vector_load %arg6[%get3A_169] {strides = array<i32>} : memref<10000xi32, #tpu.memory_space<vmem>>, vector<16xi32>,
        tpu.vector_store_idx %arg8[%get3A_170], %broadcast_in_dim3A_3 {add = true} : memref<10240xf32, #tpu.memory_space<vmem>>[vector<16xi32>], vector<16xf32>,
        %mul3A_171 = arith.constant 25 : i32
        %mul3A_172 = arith.muli %scan3A_35, %mul3A_171 : i32
        %add3A_173 = arith.constant 17 : i32
        %add3A_174 = arith.addi %mul3A_172, %add3A_173 : i32
        %mul3A_175 = arith.constant 16 : i32
        %mul3A_176 = arith.muli %add3A_174, %mul3A_175 : i32
        %get3A_177 = arith.index_cast %mul3A_176 : i32 to index
        %get3A_178 = tpu.vector_load %arg6[%get3A_177] {strides = array<i32>} : memref<10000xi32, #tpu.memory_space<vmem>>, vector<16xi32>,
        tpu.vector_store_idx %arg8[%get3A_178], %broadcast_in_dim3A_3 {add = true} : memref<10240xf32, #tpu.memory_space<vmem>>[vector<16xi32>], vector<16xf32>,
        %mul3A_179 = arith.constant 25 : i32
        %mul3A_180 = arith.muli %scan3A_35, %mul3A_179 : i32
        %add3A_181 = arith.constant 18 : i32
        %add3A_182 = arith.addi %mul3A_180, %add3A_181 : i32
        %mul3A_183 = arith.constant 16 : i32
        %mul3A_184 = arith.muli %add3A_182, %mul3A_183 : i32
        %get3A_185 = arith.index_cast %mul3A_184 : i32 to index
        %get3A_186 = tpu.vector_load %arg6[%get3A_185] {strides = array<i32>} : memref<10000xi32, #tpu.memory_space<vmem>>, vector<16xi32>,
        tpu.vector_store_idx %arg8[%get3A_186], %broadcast_in_dim3A_3 {add = true} : memref<10240xf32, #tpu.memory_space<vmem>>[vector<16xi32>], vector<16xf32>,
        %mul3A_187 = arith.constant 25 : i32
        %mul3A_188 = arith.muli %scan3A_35, %mul3A_187 : i32
        %add3A_189 = arith.constant 19 : i32
        %add3A_190 = arith.addi %mul3A_188, %add3A_189 : i32
        %mul3A_191 = arith.constant 16 : i32
        %mul3A_192 = arith.muli %add3A_190, %mul3A_191 : i32
        %get3A_193 = arith.index_cast %mul3A_192 : i32 to index
        %get3A_194 = tpu.vector_load %arg6[%get3A_193] {strides = array<i32>} : memref<10000xi32, #tpu.memory_space<vmem>>, vector<16xi32>,
        tpu.vector_store_idx %arg8[%get3A_194], %broadcast_in_dim3A_3 {add = true} : memref<10240xf32, #tpu.memory_space<vmem>>[vector<16xi32>], vector<16xf32>,
        %mul3A_195 = arith.constant 25 : i32
        %mul3A_196 = arith.muli %scan3A_35, %mul3A_195 : i32
        %add3A_197 = arith.constant 20 : i32
        %add3A_198 = arith.addi %mul3A_196, %add3A_197 : i32
        %mul3A_199 = arith.constant 16 : i32
        %mul3A_200 = arith.muli %add3A_198, %mul3A_199 : i32
        %get3A_201 = arith.index_cast %mul3A_200 : i32 to index
        %get3A_202 = tpu.vector_load %arg6[%get3A_201] {strides = array<i32>} : memref<10000xi32, #tpu.memory_space<vmem>>, vector<16xi32>,
        tpu.vector_store_idx %arg8[%get3A_202], %broadcast_in_dim3A_3 {add = true} : memref<10240xf32, #tpu.memory_space<vmem>>[vector<16xi32>], vector<16xf32>,
        %mul3A_203 = arith.constant 25 : i32
        %mul3A_204 = arith.muli %scan3A_35, %mul3A_203 : i32
        %add3A_205 = arith.constant 21 : i32
        %add3A_206 = arith.addi %mul3A_204, %add3A_205 : i32
        %mul3A_207 = arith.constant 16 : i32
        %mul3A_208 = arith.muli %add3A_206, %mul3A_207 : i32
        %get3A_209 = arith.index_cast %mul3A_208 : i32 to index
        %get3A_210 = tpu.vector_load %arg6[%get3A_209] {strides = array<i32>} : memref<10000xi32, #tpu.memory_space<vmem>>, vector<16xi32>,
        tpu.vector_store_idx %arg8[%get3A_210], %broadcast_in_dim3A_3 {add = true} : memref<10240xf32, #tpu.memory_space<vmem>>[vector<16xi32>], vector<16xf32>,
        %mul3A_211 = arith.constant 25 : i32
        %mul3A_212 = arith.muli %scan3A_35, %mul3A_211 : i32
        %add3A_213 = arith.constant 22 : i32
        %add3A_214 = arith.addi %mul3A_212, %add3A_213 : i32
        %mul3A_215 = arith.constant 16 : i32
        %mul3A_216 = arith.muli %add3A_214, %mul3A_215 : i32
        %get3A_217 = arith.index_cast %mul3A_216 : i32 to index
        %get3A_218 = tpu.vector_load %arg6[%get3A_217] {strides = array<i32>} : memref<10000xi32, #tpu.memory_space<vmem>>, vector<16xi32>,
        tpu.vector_store_idx %arg8[%get3A_218], %broadcast_in_dim3A_3 {add = true} : memref<10240xf32, #tpu.memory_space<vmem>>[vector<16xi32>], vector<16xf32>,
        %mul3A_219 = arith.constant 25 : i32
        %mul3A_220 = arith.muli %scan3A_35, %mul3A_219 : i32
        %add3A_221 = arith.constant 23 : i32
        %add3A_222 = arith.addi %mul3A_220, %add3A_221 : i32
        %mul3A_223 = arith.constant 16 : i32
        %mul3A_224 = arith.muli %add3A_222, %mul3A_223 : i32
        %get3A_225 = arith.index_cast %mul3A_224 : i32 to index
        %get3A_226 = tpu.vector_load %arg6[%get3A_225] {strides = array<i32>} : memref<10000xi32, #tpu.memory_space<vmem>>, vector<16xi32>,
        tpu.vector_store_idx %arg8[%get3A_226], %broadcast_in_dim3A_3 {add = true} : memref<10240xf32, #tpu.memory_space<vmem>>[vector<16xi32>], vector<16xf32>,
        %mul3A_227 = arith.constant 25 : i32
        %mul3A_228 = arith.muli %scan3A_35, %mul3A_227 : i32
        %add3A_229 = arith.constant 24 : i32
        %add3A_230 = arith.addi %mul3A_228, %add3A_229 : i32
        %mul3A_231 = arith.constant 16 : i32
        %mul3A_232 = arith.muli %add3A_230, %mul3A_231 : i32
        %get3A_233 = arith.index_cast %mul3A_232 : i32 to index
        %get3A_234 = tpu.vector_load %arg6[%get3A_233] {strides = array<i32>} : memref<10000xi32, #tpu.memory_space<vmem>>, vector<16xi32>,
        tpu.vector_store_idx %arg8[%get3A_234], %broadcast_in_dim3A_3 {add = true} : memref<10240xf32, #tpu.memory_space<vmem>>[vector<16xi32>], vector<16xf32>,
      }
      %scan3A_26 = arith.constant 25 : i32
      %dma_wait3A_27 = tpu.memref_slice %arg3[%add3A_12] : memref<320000xi32, #tpu.memory_space<hbm>> -> memref<10000xi32, #tpu.memory_space<hbm>>
      %dma_wait3A_28 = tpu.memref_slice %arg3[%add3A_12] : memref<320000xi32, #tpu.memory_space<hbm>> -> memref<10000xi32, #tpu.memory_space<hbm>>
      tpu.wait_dma2 semaphore(%arg10 : memref<!tpu.dma_semaphore, #tpu.memory_space<semaphore_mem>>) src(%dma_wait3A_28 : memref<10000xi32, #tpu.memory_space<hbm>>) dst(%arg7 : memref<10000xi32, #tpu.memory_space<vmem>>)
      %scan3A_29 = arith.constant 0 : i32
      %scan3A_30 = arith.constant 0 : i32
      %scan3A_31 = arith.constant 25 : i32
      %scan3A_32 = arith.addi %scan3A_30, %scan3A_31 : i32
      %scan3A_33 = arith.constant 1 : i32
      scf.for %scan3A_35 = %scan3A_30 to %scan3A_32 step %scan3A_33  : i32 {
        %mul3A_36 = arith.constant 25 : i32
        %mul3A_37 = arith.muli %scan3A_35, %mul3A_36 : i32
        %add3A_38 = arith.constant 0 : i32
        %add3A_39 = arith.addi %mul3A_37, %add3A_38 : i32
        %mul3A_40 = arith.constant 16 : i32
        %mul3A_41 = arith.muli %add3A_39, %mul3A_40 : i32
        %get3A = arith.index_cast %mul3A_41 : i32 to index
        %get3A_42 = tpu.vector_load %arg7[%get3A] {strides = array<i32>} : memref<10000xi32, #tpu.memory_space<vmem>>, vector<16xi32>,
        tpu.vector_store_idx %arg8[%get3A_42], %broadcast_in_dim3A_3 {add = true} : memref<10240xf32, #tpu.memory_space<vmem>>[vector<16xi32>], vector<16xf32>,
        %mul3A_43 = arith.constant 25 : i32
        %mul3A_44 = arith.muli %scan3A_35, %mul3A_43 : i32
        %add3A_45 = arith.constant 1 : i32
        %add3A_46 = arith.addi %mul3A_44, %add3A_45 : i32
        %mul3A_47 = arith.constant 16 : i32
        %mul3A_48 = arith.muli %add3A_46, %mul3A_47 : i32
        %get3A_49 = arith.index_cast %mul3A_48 : i32 to index
        %get3A_50 = tpu.vector_load %arg7[%get3A_49] {strides = array<i32>} : memref<10000xi32, #tpu.memory_space<vmem>>, vector<16xi32>,
        tpu.vector_store_idx %arg8[%get3A_50], %broadcast_in_dim3A_3 {add = true} : memref<10240xf32, #tpu.memory_space<vmem>>[vector<16xi32>], vector<16xf32>,
        %mul3A_51 = arith.constant 25 : i32
        %mul3A_52 = arith.muli %scan3A_35, %mul3A_51 : i32
        %add3A_53 = arith.constant 2 : i32
        %add3A_54 = arith.addi %mul3A_52, %add3A_53 : i32
        %mul3A_55 = arith.constant 16 : i32
        %mul3A_56 = arith.muli %add3A_54, %mul3A_55 : i32
        %get3A_57 = arith.index_cast %mul3A_56 : i32 to index
        %get3A_58 = tpu.vector_load %arg7[%get3A_57] {strides = array<i32>} : memref<10000xi32, #tpu.memory_space<vmem>>, vector<16xi32>,
        tpu.vector_store_idx %arg8[%get3A_58], %broadcast_in_dim3A_3 {add = true} : memref<10240xf32, #tpu.memory_space<vmem>>[vector<16xi32>], vector<16xf32>,
        %mul3A_59 = arith.constant 25 : i32
        %mul3A_60 = arith.muli %scan3A_35, %mul3A_59 : i32
        %add3A_61 = arith.constant 3 : i32
        %add3A_62 = arith.addi %mul3A_60, %add3A_61 : i32
        %mul3A_63 = arith.constant 16 : i32
        %mul3A_64 = arith.muli %add3A_62, %mul3A_63 : i32
        %get3A_65 = arith.index_cast %mul3A_64 : i32 to index
        %get3A_66 = tpu.vector_load %arg7[%get3A_65] {strides = array<i32>} : memref<10000xi32, #tpu.memory_space<vmem>>, vector<16xi32>,
        tpu.vector_store_idx %arg8[%get3A_66], %broadcast_in_dim3A_3 {add = true} : memref<10240xf32, #tpu.memory_space<vmem>>[vector<16xi32>], vector<16xf32>,
        %mul3A_67 = arith.constant 25 : i32
        %mul3A_68 = arith.muli %scan3A_35, %mul3A_67 : i32
        %add3A_69 = arith.constant 4 : i32
        %add3A_70 = arith.addi %mul3A_68, %add3A_69 : i32
        %mul3A_71 = arith.constant 16 : i32
        %mul3A_72 = arith.muli %add3A_70, %mul3A_71 : i32
        %get3A_73 = arith.index_cast %mul3A_72 : i32 to index
        %get3A_74 = tpu.vector_load %arg7[%get3A_73] {strides = array<i32>} : memref<10000xi32, #tpu.memory_space<vmem>>, vector<16xi32>,
        tpu.vector_store_idx %arg8[%get3A_74], %broadcast_in_dim3A_3 {add = true} : memref<10240xf32, #tpu.memory_space<vmem>>[vector<16xi32>], vector<16xf32>,
        %mul3A_75 = arith.constant 25 : i32
        %mul3A_76 = arith.muli %scan3A_35, %mul3A_75 : i32
        %add3A_77 = arith.constant 5 : i32
        %add3A_78 = arith.addi %mul3A_76, %add3A_77 : i32
        %mul3A_79 = arith.constant 16 : i32
        %mul3A_80 = arith.muli %add3A_78, %mul3A_79 : i32
        %get3A_81 = arith.index_cast %mul3A_80 : i32 to index
        %get3A_82 = tpu.vector_load %arg7[%get3A_81] {strides = array<i32>} : memref<10000xi32, #tpu.memory_space<vmem>>, vector<16xi32>,
        tpu.vector_store_idx %arg8[%get3A_82], %broadcast_in_dim3A_3 {add = true} : memref<10240xf32, #tpu.memory_space<vmem>>[vector<16xi32>], vector<16xf32>,
        %mul3A_83 = arith.constant 25 : i32
        %mul3A_84 = arith.muli %scan3A_35, %mul3A_83 : i32
        %add3A_85 = arith.constant 6 : i32
        %add3A_86 = arith.addi %mul3A_84, %add3A_85 : i32
        %mul3A_87 = arith.constant 16 : i32
        %mul3A_88 = arith.muli %add3A_86, %mul3A_87 : i32
        %get3A_89 = arith.index_cast %mul3A_88 : i32 to index
        %get3A_90 = tpu.vector_load %arg7[%get3A_89] {strides = array<i32>} : memref<10000xi32, #tpu.memory_space<vmem>>, vector<16xi32>,
        tpu.vector_store_idx %arg8[%get3A_90], %broadcast_in_dim3A_3 {add = true} : memref<10240xf32, #tpu.memory_space<vmem>>[vector<16xi32>], vector<16xf32>,
        %mul3A_91 = arith.constant 25 : i32
        %mul3A_92 = arith.muli %scan3A_35, %mul3A_91 : i32
        %add3A_93 = arith.constant 7 : i32
        %add3A_94 = arith.addi %mul3A_92, %add3A_93 : i32
        %mul3A_95 = arith.constant 16 : i32
        %mul3A_96 = arith.muli %add3A_94, %mul3A_95 : i32
        %get3A_97 = arith.index_cast %mul3A_96 : i32 to index
        %get3A_98 = tpu.vector_load %arg7[%get3A_97] {strides = array<i32>} : memref<10000xi32, #tpu.memory_space<vmem>>, vector<16xi32>,
        tpu.vector_store_idx %arg8[%get3A_98], %broadcast_in_dim3A_3 {add = true} : memref<10240xf32, #tpu.memory_space<vmem>>[vector<16xi32>], vector<16xf32>,
        %mul3A_99 = arith.constant 25 : i32
        %mul3A_100 = arith.muli %scan3A_35, %mul3A_99 : i32
        %add3A_101 = arith.constant 8 : i32
        %add3A_102 = arith.addi %mul3A_100, %add3A_101 : i32
        %mul3A_103 = arith.constant 16 : i32
        %mul3A_104 = arith.muli %add3A_102, %mul3A_103 : i32
        %get3A_105 = arith.index_cast %mul3A_104 : i32 to index
        %get3A_106 = tpu.vector_load %arg7[%get3A_105] {strides = array<i32>} : memref<10000xi32, #tpu.memory_space<vmem>>, vector<16xi32>,
        tpu.vector_store_idx %arg8[%get3A_106], %broadcast_in_dim3A_3 {add = true} : memref<10240xf32, #tpu.memory_space<vmem>>[vector<16xi32>], vector<16xf32>,
        %mul3A_107 = arith.constant 25 : i32
        %mul3A_108 = arith.muli %scan3A_35, %mul3A_107 : i32
        %add3A_109 = arith.constant 9 : i32
        %add3A_110 = arith.addi %mul3A_108, %add3A_109 : i32
        %mul3A_111 = arith.constant 16 : i32
        %mul3A_112 = arith.muli %add3A_110, %mul3A_111 : i32
        %get3A_113 = arith.index_cast %mul3A_112 : i32 to index
        %get3A_114 = tpu.vector_load %arg7[%get3A_113] {strides = array<i32>} : memref<10000xi32, #tpu.memory_space<vmem>>, vector<16xi32>,
        tpu.vector_store_idx %arg8[%get3A_114], %broadcast_in_dim3A_3 {add = true} : memref<10240xf32, #tpu.memory_space<vmem>>[vector<16xi32>], vector<16xf32>,
        %mul3A_115 = arith.constant 25 : i32
        %mul3A_116 = arith.muli %scan3A_35, %mul3A_115 : i32
        %add3A_117 = arith.constant 10 : i32
        %add3A_118 = arith.addi %mul3A_116, %add3A_117 : i32
        %mul3A_119 = arith.constant 16 : i32
        %mul3A_120 = arith.muli %add3A_118, %mul3A_119 : i32
        %get3A_121 = arith.index_cast %mul3A_120 : i32 to index
        %get3A_122 = tpu.vector_load %arg7[%get3A_121] {strides = array<i32>} : memref<10000xi32, #tpu.memory_space<vmem>>, vector<16xi32>,
        tpu.vector_store_idx %arg8[%get3A_122], %broadcast_in_dim3A_3 {add = true} : memref<10240xf32, #tpu.memory_space<vmem>>[vector<16xi32>], vector<16xf32>,
        %mul3A_123 = arith.constant 25 : i32
        %mul3A_124 = arith.muli %scan3A_35, %mul3A_123 : i32
        %add3A_125 = arith.constant 11 : i32
        %add3A_126 = arith.addi %mul3A_124, %add3A_125 : i32
        %mul3A_127 = arith.constant 16 : i32
        %mul3A_128 = arith.muli %add3A_126, %mul3A_127 : i32
        %get3A_129 = arith.index_cast %mul3A_128 : i32 to index
        %get3A_130 = tpu.vector_load %arg7[%get3A_129] {strides = array<i32>} : memref<10000xi32, #tpu.memory_space<vmem>>, vector<16xi32>,
        tpu.vector_store_idx %arg8[%get3A_130], %broadcast_in_dim3A_3 {add = true} : memref<10240xf32, #tpu.memory_space<vmem>>[vector<16xi32>], vector<16xf32>,
        %mul3A_131 = arith.constant 25 : i32
        %mul3A_132 = arith.muli %scan3A_35, %mul3A_131 : i32
        %add3A_133 = arith.constant 12 : i32
        %add3A_134 = arith.addi %mul3A_132, %add3A_133 : i32
        %mul3A_135 = arith.constant 16 : i32
        %mul3A_136 = arith.muli %add3A_134, %mul3A_135 : i32
        %get3A_137 = arith.index_cast %mul3A_136 : i32 to index
        %get3A_138 = tpu.vector_load %arg7[%get3A_137] {strides = array<i32>} : memref<10000xi32, #tpu.memory_space<vmem>>, vector<16xi32>,
        tpu.vector_store_idx %arg8[%get3A_138], %broadcast_in_dim3A_3 {add = true} : memref<10240xf32, #tpu.memory_space<vmem>>[vector<16xi32>], vector<16xf32>,
        %mul3A_139 = arith.constant 25 : i32
        %mul3A_140 = arith.muli %scan3A_35, %mul3A_139 : i32
        %add3A_141 = arith.constant 13 : i32
        %add3A_142 = arith.addi %mul3A_140, %add3A_141 : i32
        %mul3A_143 = arith.constant 16 : i32
        %mul3A_144 = arith.muli %add3A_142, %mul3A_143 : i32
        %get3A_145 = arith.index_cast %mul3A_144 : i32 to index
        %get3A_146 = tpu.vector_load %arg7[%get3A_145] {strides = array<i32>} : memref<10000xi32, #tpu.memory_space<vmem>>, vector<16xi32>,
        tpu.vector_store_idx %arg8[%get3A_146], %broadcast_in_dim3A_3 {add = true} : memref<10240xf32, #tpu.memory_space<vmem>>[vector<16xi32>], vector<16xf32>,
        %mul3A_147 = arith.constant 25 : i32
        %mul3A_148 = arith.muli %scan3A_35, %mul3A_147 : i32
        %add3A_149 = arith.constant 14 : i32
        %add3A_150 = arith.addi %mul3A_148, %add3A_149 : i32
        %mul3A_151 = arith.constant 16 : i32
        %mul3A_152 = arith.muli %add3A_150, %mul3A_151 : i32
        %get3A_153 = arith.index_cast %mul3A_152 : i32 to index
        %get3A_154 = tpu.vector_load %arg7[%get3A_153] {strides = array<i32>} : memref<10000xi32, #tpu.memory_space<vmem>>, vector<16xi32>,
        tpu.vector_store_idx %arg8[%get3A_154], %broadcast_in_dim3A_3 {add = true} : memref<10240xf32, #tpu.memory_space<vmem>>[vector<16xi32>], vector<16xf32>,
        %mul3A_155 = arith.constant 25 : i32
        %mul3A_156 = arith.muli %scan3A_35, %mul3A_155 : i32
        %add3A_157 = arith.constant 15 : i32
        %add3A_158 = arith.addi %mul3A_156, %add3A_157 : i32
        %mul3A_159 = arith.constant 16 : i32
        %mul3A_160 = arith.muli %add3A_158, %mul3A_159 : i32
        %get3A_161 = arith.index_cast %mul3A_160 : i32 to index
        %get3A_162 = tpu.vector_load %arg7[%get3A_161] {strides = array<i32>} : memref<10000xi32, #tpu.memory_space<vmem>>, vector<16xi32>,
        tpu.vector_store_idx %arg8[%get3A_162], %broadcast_in_dim3A_3 {add = true} : memref<10240xf32, #tpu.memory_space<vmem>>[vector<16xi32>], vector<16xf32>,
        %mul3A_163 = arith.constant 25 : i32
        %mul3A_164 = arith.muli %scan3A_35, %mul3A_163 : i32
        %add3A_165 = arith.constant 16 : i32
        %add3A_166 = arith.addi %mul3A_164, %add3A_165 : i32
        %mul3A_167 = arith.constant 16 : i32
        %mul3A_168 = arith.muli %add3A_166, %mul3A_167 : i32
        %get3A_169 = arith.index_cast %mul3A_168 : i32 to index
        %get3A_170 = tpu.vector_load %arg7[%get3A_169] {strides = array<i32>} : memref<10000xi32, #tpu.memory_space<vmem>>, vector<16xi32>,
        tpu.vector_store_idx %arg8[%get3A_170], %broadcast_in_dim3A_3 {add = true} : memref<10240xf32, #tpu.memory_space<vmem>>[vector<16xi32>], vector<16xf32>,
        %mul3A_171 = arith.constant 25 : i32
        %mul3A_172 = arith.muli %scan3A_35, %mul3A_171 : i32
        %add3A_173 = arith.constant 17 : i32
        %add3A_174 = arith.addi %mul3A_172, %add3A_173 : i32
        %mul3A_175 = arith.constant 16 : i32
        %mul3A_176 = arith.muli %add3A_174, %mul3A_175 : i32
        %get3A_177 = arith.index_cast %mul3A_176 : i32 to index
        %get3A_178 = tpu.vector_load %arg7[%get3A_177] {strides = array<i32>} : memref<10000xi32, #tpu.memory_space<vmem>>, vector<16xi32>,
        tpu.vector_store_idx %arg8[%get3A_178], %broadcast_in_dim3A_3 {add = true} : memref<10240xf32, #tpu.memory_space<vmem>>[vector<16xi32>], vector<16xf32>,
        %mul3A_179 = arith.constant 25 : i32
        %mul3A_180 = arith.muli %scan3A_35, %mul3A_179 : i32
        %add3A_181 = arith.constant 18 : i32
        %add3A_182 = arith.addi %mul3A_180, %add3A_181 : i32
        %mul3A_183 = arith.constant 16 : i32
        %mul3A_184 = arith.muli %add3A_182, %mul3A_183 : i32
        %get3A_185 = arith.index_cast %mul3A_184 : i32 to index
        %get3A_186 = tpu.vector_load %arg7[%get3A_185] {strides = array<i32>} : memref<10000xi32, #tpu.memory_space<vmem>>, vector<16xi32>,
        tpu.vector_store_idx %arg8[%get3A_186], %broadcast_in_dim3A_3 {add = true} : memref<10240xf32, #tpu.memory_space<vmem>>[vector<16xi32>], vector<16xf32>,
        %mul3A_187 = arith.constant 25 : i32
        %mul3A_188 = arith.muli %scan3A_35, %mul3A_187 : i32
        %add3A_189 = arith.constant 19 : i32
        %add3A_190 = arith.addi %mul3A_188, %add3A_189 : i32
        %mul3A_191 = arith.constant 16 : i32
        %mul3A_192 = arith.muli %add3A_190, %mul3A_191 : i32
        %get3A_193 = arith.index_cast %mul3A_192 : i32 to index
        %get3A_194 = tpu.vector_load %arg7[%get3A_193] {strides = array<i32>} : memref<10000xi32, #tpu.memory_space<vmem>>, vector<16xi32>,
        tpu.vector_store_idx %arg8[%get3A_194], %broadcast_in_dim3A_3 {add = true} : memref<10240xf32, #tpu.memory_space<vmem>>[vector<16xi32>], vector<16xf32>,
        %mul3A_195 = arith.constant 25 : i32
        %mul3A_196 = arith.muli %scan3A_35, %mul3A_195 : i32
        %add3A_197 = arith.constant 20 : i32
        %add3A_198 = arith.addi %mul3A_196, %add3A_197 : i32
        %mul3A_199 = arith.constant 16 : i32
        %mul3A_200 = arith.muli %add3A_198, %mul3A_199 : i32
        %get3A_201 = arith.index_cast %mul3A_200 : i32 to index
        %get3A_202 = tpu.vector_load %arg7[%get3A_201] {strides = array<i32>} : memref<10000xi32, #tpu.memory_space<vmem>>, vector<16xi32>,
        tpu.vector_store_idx %arg8[%get3A_202], %broadcast_in_dim3A_3 {add = true} : memref<10240xf32, #tpu.memory_space<vmem>>[vector<16xi32>], vector<16xf32>,
        %mul3A_203 = arith.constant 25 : i32
        %mul3A_204 = arith.muli %scan3A_35, %mul3A_203 : i32
        %add3A_205 = arith.constant 21 : i32
        %add3A_206 = arith.addi %mul3A_204, %add3A_205 : i32
        %mul3A_207 = arith.constant 16 : i32
        %mul3A_208 = arith.muli %add3A_206, %mul3A_207 : i32
        %get3A_209 = arith.index_cast %mul3A_208 : i32 to index
        %get3A_210 = tpu.vector_load %arg7[%get3A_209] {strides = array<i32>} : memref<10000xi32, #tpu.memory_space<vmem>>, vector<16xi32>,
        tpu.vector_store_idx %arg8[%get3A_210], %broadcast_in_dim3A_3 {add = true} : memref<10240xf32, #tpu.memory_space<vmem>>[vector<16xi32>], vector<16xf32>,
        %mul3A_211 = arith.constant 25 : i32
        %mul3A_212 = arith.muli %scan3A_35, %mul3A_211 : i32
        %add3A_213 = arith.constant 22 : i32
        %add3A_214 = arith.addi %mul3A_212, %add3A_213 : i32
        %mul3A_215 = arith.constant 16 : i32
        %mul3A_216 = arith.muli %add3A_214, %mul3A_215 : i32
        %get3A_217 = arith.index_cast %mul3A_216 : i32 to index
        %get3A_218 = tpu.vector_load %arg7[%get3A_217] {strides = array<i32>} : memref<10000xi32, #tpu.memory_space<vmem>>, vector<16xi32>,
        tpu.vector_store_idx %arg8[%get3A_218], %broadcast_in_dim3A_3 {add = true} : memref<10240xf32, #tpu.memory_space<vmem>>[vector<16xi32>], vector<16xf32>,
        %mul3A_219 = arith.constant 25 : i32
        %mul3A_220 = arith.muli %scan3A_35, %mul3A_219 : i32
        %add3A_221 = arith.constant 23 : i32
        %add3A_222 = arith.addi %mul3A_220, %add3A_221 : i32
        %mul3A_223 = arith.constant 16 : i32
        %mul3A_224 = arith.muli %add3A_222, %mul3A_223 : i32
        %get3A_225 = arith.index_cast %mul3A_224 : i32 to index
        %get3A_226 = tpu.vector_load %arg7[%get3A_225] {strides = array<i32>} : memref<10000xi32, #tpu.memory_space<vmem>>, vector<16xi32>,
        tpu.vector_store_idx %arg8[%get3A_226], %broadcast_in_dim3A_3 {add = true} : memref<10240xf32, #tpu.memory_space<vmem>>[vector<16xi32>], vector<16xf32>,
        %mul3A_227 = arith.constant 25 : i32
        %mul3A_228 = arith.muli %scan3A_35, %mul3A_227 : i32
        %add3A_229 = arith.constant 24 : i32
        %add3A_230 = arith.addi %mul3A_228, %add3A_229 : i32
        %mul3A_231 = arith.constant 16 : i32
        %mul3A_232 = arith.muli %add3A_230, %mul3A_231 : i32
        %get3A_233 = arith.index_cast %mul3A_232 : i32 to index
        %get3A_234 = tpu.vector_load %arg7[%get3A_233] {strides = array<i32>} : memref<10000xi32, #tpu.memory_space<vmem>>, vector<16xi32>,
        tpu.vector_store_idx %arg8[%get3A_234], %broadcast_in_dim3A_3 {add = true} : memref<10240xf32, #tpu.memory_space<vmem>>[vector<16xi32>], vector<16xf32>,
      }
      %scan3A_34 = arith.constant 25 : i32
      "tpu.region"() ({
        %run_scoped3A = tpu.sem_alloc : memref<!tpu.dma_semaphore, #tpu.memory_space<semaphore_mem>>
        %dma_start3A_35 = arith.constant 0 : i32
        %dma_start3A_36 = tpu.memref_slice %arg5[%arg1, %dma_start3A_35] : memref<16x10240xf32, #tpu.memory_space<hbm>> -> memref<1x10240xf32, #tpu.memory_space<hbm>>
        %dma_start3A_37 = tpu.memref_squeeze %dma_start3A_36 : memref<1x10240xf32, #tpu.memory_space<hbm>> -> memref<10240xf32, #tpu.memory_space<hbm>>
        %dma_start3A_38 = arith.constant 0 : i32
        %dma_start3A_39 = tpu.memref_slice %arg5[%arg1, %dma_start3A_38] : memref<16x10240xf32, #tpu.memory_space<hbm>> -> memref<1x10240xf32, #tpu.memory_space<hbm>>
        %dma_start3A_40 = tpu.memref_squeeze %dma_start3A_39 : memref<1x10240xf32, #tpu.memory_space<hbm>> -> memref<10240xf32, #tpu.memory_space<hbm>>
        tpu.enqueue_dma source(%arg8 : memref<10240xf32, #tpu.memory_space<vmem>>) target(%dma_start3A_40 : memref<10240xf32, #tpu.memory_space<hbm>>) target_semaphore(%run_scoped3A : memref<!tpu.dma_semaphore, #tpu.memory_space<semaphore_mem>>)
        %dma_wait3A_41 = arith.constant 0 : i32
        %dma_wait3A_42 = tpu.memref_slice %arg5[%arg1, %dma_wait3A_41] : memref<16x10240xf32, #tpu.memory_space<hbm>> -> memref<1x10240xf32, #tpu.memory_space<hbm>>
        %dma_wait3A_43 = tpu.memref_squeeze %dma_wait3A_42 : memref<1x10240xf32, #tpu.memory_space<hbm>> -> memref<10240xf32, #tpu.memory_space<hbm>>
        %dma_wait3A_44 = arith.constant 0 : i32
        %dma_wait3A_45 = tpu.memref_slice %arg5[%arg1, %dma_wait3A_44] : memref<16x10240xf32, #tpu.memory_space<hbm>> -> memref<1x10240xf32, #tpu.memory_space<hbm>>
        %dma_wait3A_46 = tpu.memref_squeeze %dma_wait3A_45 : memref<1x10240xf32, #tpu.memory_space<hbm>> -> memref<10240xf32, #tpu.memory_space<hbm>>
        tpu.wait_dma2 semaphore(%run_scoped3A : memref<!tpu.dma_semaphore, #tpu.memory_space<semaphore_mem>>) src(%arg8 : memref<10240xf32, #tpu.memory_space<vmem>>) dst(%dma_wait3A_46 : memref<10240xf32, #tpu.memory_space<hbm>>)
        tpu.yield
      }) : () -> ()
    } else {
    }
    return
  }
}

module attributes {stable_mosaic.version = 14 : i64} {
  func.func @_tc_body(%arg0: i32, %arg1: memref<1x128xf32, #tpu.memory_space<vmem>>, %arg2: memref<1x128xf32, #tpu.memory_space<vmem>>, %arg3: memref<128x1xf32, #tpu.memory_space<vmem>>, %arg4: memref<128x1xf32, #tpu.memory_space<vmem>>, %arg5: memref<128x128xf32, #tpu.memory_space<vmem>>, %arg6: memref<128x1xf32, #tpu.memory_space<vmem>>, %arg7: memref<128x128xf32, #tpu.memory_space<vmem>>, %arg8: memref<128x1xf32, #tpu.memory_space<vmem>>, %arg9: memref<128x128xf32, #tpu.memory_space<vmem>>, %arg10: memref<128x128xf32, #tpu.memory_space<vmem>>, %arg11: memref<1x128xf32, #tpu.memory_space<vmem>>, %arg12: memref<128x128xf32, #tpu.memory_space<vmem>>, %arg13: memref<128x128xf32, #tpu.memory_space<vmem>>, %arg14: memref<1x128xf32, #tpu.memory_space<vmem>>, %arg15: memref<32x2560xf32, #tpu.memory_space<vmem>>, %arg16: memref<32x2560xf32, #tpu.memory_space<vmem>>, %arg17: memref<2560x128xf32, #tpu.memory_space<vmem>>, %arg18: memref<2560x128xf32, #tpu.memory_space<vmem>>) attributes {dimension_semantics = [#tpu.dimension_semantics<arbitrary>], iteration_bounds = array<i64: 4>, scalar_prefetch = 0 : i64, scratch_operands = 0 : i64, tpu.core_type = #tpu.core_type<tc>, window_params = [{pipeline_mode = #tpu.pipeline_mode<synchronous>, transform_indices = @transform_0, window_bounds = array<i64: 1, 128>}, {pipeline_mode = #tpu.pipeline_mode<synchronous>, transform_indices = @transform_1, window_bounds = array<i64: 1, 128>}, {pipeline_mode = #tpu.pipeline_mode<synchronous>, transform_indices = @transform_2, window_bounds = array<i64: 128, 1>}, {pipeline_mode = #tpu.pipeline_mode<synchronous>, transform_indices = @transform_3, window_bounds = array<i64: 128, 1>}, {pipeline_mode = #tpu.pipeline_mode<synchronous>, transform_indices = @transform_4, window_bounds = array<i64: 128, 128>}, {pipeline_mode = #tpu.pipeline_mode<synchronous>, transform_indices = @transform_5, window_bounds = array<i64: 128, 1>}, {pipeline_mode = #tpu.pipeline_mode<synchronous>, transform_indices = @transform_6, window_bounds = array<i64: 128, 128>}, {pipeline_mode = #tpu.pipeline_mode<synchronous>, transform_indices = @transform_7, window_bounds = array<i64: 128, 1>}, {pipeline_mode = #tpu.pipeline_mode<synchronous>, transform_indices = @transform_8, window_bounds = array<i64: 128, 128>}, {pipeline_mode = #tpu.pipeline_mode<synchronous>, transform_indices = @transform_9, window_bounds = array<i64: 128, 128>}, {pipeline_mode = #tpu.pipeline_mode<synchronous>, transform_indices = @transform_10, window_bounds = array<i64: 1, 128>}, {pipeline_mode = #tpu.pipeline_mode<synchronous>, transform_indices = @transform_11, window_bounds = array<i64: 128, 128>}, {pipeline_mode = #tpu.pipeline_mode<synchronous>, transform_indices = @transform_12, window_bounds = array<i64: 128, 128>}, {pipeline_mode = #tpu.pipeline_mode<synchronous>, transform_indices = @transform_13, window_bounds = array<i64: 1, 128>}, {transform_indices = @transform_14, window_bounds = array<i64: 32, 2560>}, {transform_indices = @transform_15, window_bounds = array<i64: 32, 2560>}, {transform_indices = @transform_16, window_bounds = array<i64: 2560, 128>}, {transform_indices = @transform_17, window_bounds = array<i64: 2560, 128>}]} {
    %get3A = arith.constant 0 : index
    %get3A_0 = arith.constant 0 : index
    %get3A_1 = vector.load %arg5[%get3A, %get3A_0] : memref<128x128xf32, #tpu.memory_space<vmem>>, vector<128x128xf32>
    %get3A_2 = arith.constant 0 : index
    %get3A_3 = arith.constant 0 : index
    %get3A_4 = vector.load %arg1[%get3A_2, %get3A_3] : memref<1x128xf32, #tpu.memory_space<vmem>>, vector<1x128xf32>
    %mul3A = vector.broadcast %get3A_4 : vector<1x128xf32> to vector<128x128xf32>
    %mul3A_5 = arith.mulf %get3A_1, %mul3A : vector<128x128xf32>
    %reduce_sum3A = arith.constant dense<0.000000e+00> : vector<128xf32>
    %reduce_sum3A_6 = vector.multi_reduction <add>, %mul3A_5, %reduce_sum3A [1] : vector<128x128xf32> to vector<128xf32>
    %broadcast_in_dim3A = vector.shape_cast %reduce_sum3A_6 : vector<128xf32> to vector<128x1xf32>
    %get3A_7 = arith.constant 0 : index
    %get3A_8 = arith.constant 0 : index
    %get3A_9 = vector.load %arg6[%get3A_7, %get3A_8] : memref<128x1xf32, #tpu.memory_space<vmem>>, vector<128x1xf32>
    %add3A = arith.addf %broadcast_in_dim3A, %get3A_9 : vector<128x1xf32>
    %max3A = arith.constant 0.000000e+00 : f32
    %max3A_10 = vector.broadcast %max3A : f32 to vector<128x1xf32>
    %max3A_11 = arith.maximumf %add3A, %max3A_10 : vector<128x1xf32>
    %get3A_12 = arith.constant 0 : index
    %get3A_13 = arith.constant 0 : index
    %get3A_14 = vector.load %arg7[%get3A_12, %get3A_13] : memref<128x128xf32, #tpu.memory_space<vmem>>, vector<128x128xf32>
    %get3A_15 = arith.constant 0 : index
    %get3A_16 = arith.constant 0 : index
    %get3A_17 = vector.load %arg2[%get3A_15, %get3A_16] : memref<1x128xf32, #tpu.memory_space<vmem>>, vector<1x128xf32>
    %mul3A_18 = vector.broadcast %get3A_17 : vector<1x128xf32> to vector<128x128xf32>
    %mul3A_19 = arith.mulf %get3A_14, %mul3A_18 : vector<128x128xf32>
    %reduce_sum3A_20 = arith.constant dense<0.000000e+00> : vector<128xf32>
    %reduce_sum3A_21 = vector.multi_reduction <add>, %mul3A_19, %reduce_sum3A_20 [1] : vector<128x128xf32> to vector<128xf32>
    %broadcast_in_dim3A_22 = vector.shape_cast %reduce_sum3A_21 : vector<128xf32> to vector<128x1xf32>
    %get3A_23 = arith.constant 0 : index
    %get3A_24 = arith.constant 0 : index
    %get3A_25 = vector.load %arg8[%get3A_23, %get3A_24] : memref<128x1xf32, #tpu.memory_space<vmem>>, vector<128x1xf32>
    %add3A_26 = arith.addf %broadcast_in_dim3A_22, %get3A_25 : vector<128x1xf32>
    %max3A_27 = arith.constant 0.000000e+00 : f32
    %max3A_28 = vector.broadcast %max3A_27 : f32 to vector<128x1xf32>
    %max3A_29 = arith.maximumf %add3A_26, %max3A_28 : vector<128x1xf32>
    %get3A_30 = arith.constant 0 : index
    %get3A_31 = arith.constant 0 : index
    %get3A_32 = vector.load %arg4[%get3A_30, %get3A_31] : memref<128x1xf32, #tpu.memory_space<vmem>>, vector<128x1xf32>
    %get3A_33 = arith.constant 0 : index
    %get3A_34 = arith.constant 0 : index
    %get3A_35 = vector.load %arg12[%get3A_33, %get3A_34] : memref<128x128xf32, #tpu.memory_space<vmem>>, vector<128x128xf32>
    %mul3A_36 = vector.broadcast %get3A_32 : vector<128x1xf32> to vector<128x128xf32>
    %mul3A_37 = arith.mulf %mul3A_36, %get3A_35 : vector<128x128xf32>
    %reduce_sum3A_38 = arith.constant dense<0.000000e+00> : vector<128xf32>
    %reduce_sum3A_39 = vector.multi_reduction <add>, %mul3A_37, %reduce_sum3A_38 [0] : vector<128x128xf32> to vector<128xf32>
    %broadcast_in_dim3A_40 = vector.shape_cast %reduce_sum3A_39 : vector<128xf32> to vector<1x128xf32>
    %get3A_41 = arith.constant 0 : index
    %get3A_42 = arith.constant 0 : index
    %get3A_43 = vector.load %arg14[%get3A_41, %get3A_42] : memref<1x128xf32, #tpu.memory_space<vmem>>, vector<1x128xf32>
    %add3A_44 = arith.addf %broadcast_in_dim3A_40, %get3A_43 : vector<1x128xf32>
    %get3A_45 = arith.constant 0 : index
    %get3A_46 = arith.constant 0 : index
    %get3A_47 = vector.load %arg13[%get3A_45, %get3A_46] : memref<128x128xf32, #tpu.memory_space<vmem>>, vector<128x128xf32>
    %mul3A_48 = vector.broadcast %max3A_11 : vector<128x1xf32> to vector<128x128xf32>
    %mul3A_49 = arith.mulf %mul3A_48, %get3A_47 : vector<128x128xf32>
    %reduce_sum3A_50 = arith.constant dense<0.000000e+00> : vector<128xf32>
    %reduce_sum3A_51 = vector.multi_reduction <add>, %mul3A_49, %reduce_sum3A_50 [0] : vector<128x128xf32> to vector<128xf32>
    %broadcast_in_dim3A_52 = vector.shape_cast %reduce_sum3A_51 : vector<128xf32> to vector<1x128xf32>
    %get3A_53 = arith.constant 0 : index
    %get3A_54 = arith.constant 0 : index
    %get3A_55 = vector.load %arg3[%get3A_53, %get3A_54] : memref<128x1xf32, #tpu.memory_space<vmem>>, vector<128x1xf32>
    %get3A_56 = arith.constant 0 : index
    %get3A_57 = arith.constant 0 : index
    %get3A_58 = vector.load %arg9[%get3A_56, %get3A_57] : memref<128x128xf32, #tpu.memory_space<vmem>>, vector<128x128xf32>
    %mul3A_59 = vector.broadcast %get3A_55 : vector<128x1xf32> to vector<128x128xf32>
    %mul3A_60 = arith.mulf %mul3A_59, %get3A_58 : vector<128x128xf32>
    %reduce_sum3A_61 = arith.constant dense<0.000000e+00> : vector<128xf32>
    %reduce_sum3A_62 = vector.multi_reduction <add>, %mul3A_60, %reduce_sum3A_61 [0] : vector<128x128xf32> to vector<128xf32>
    %broadcast_in_dim3A_63 = vector.shape_cast %reduce_sum3A_62 : vector<128xf32> to vector<1x128xf32>
    %get3A_64 = arith.constant 0 : index
    %get3A_65 = arith.constant 0 : index
    %get3A_66 = vector.load %arg11[%get3A_64, %get3A_65] : memref<1x128xf32, #tpu.memory_space<vmem>>, vector<1x128xf32>
    %add3A_67 = arith.addf %broadcast_in_dim3A_63, %get3A_66 : vector<1x128xf32>
    %get3A_68 = arith.constant 0 : index
    %get3A_69 = arith.constant 0 : index
    %get3A_70 = vector.load %arg10[%get3A_68, %get3A_69] : memref<128x128xf32, #tpu.memory_space<vmem>>, vector<128x128xf32>
    %mul3A_71 = vector.broadcast %max3A_29 : vector<128x1xf32> to vector<128x128xf32>
    %mul3A_72 = arith.mulf %mul3A_71, %get3A_70 : vector<128x128xf32>
    %reduce_sum3A_73 = arith.constant dense<0.000000e+00> : vector<128xf32>
    %reduce_sum3A_74 = vector.multi_reduction <add>, %mul3A_72, %reduce_sum3A_73 [0] : vector<128x128xf32> to vector<128xf32>
    %broadcast_in_dim3A_75 = vector.shape_cast %reduce_sum3A_74 : vector<128xf32> to vector<1x128xf32>
    %get3A_76 = arith.constant 0 : index
    %get3A_77 = arith.constant 0 : index
    %get3A_78 = vector.load %arg15[%get3A_76, %get3A_77] : memref<32x2560xf32, #tpu.memory_space<vmem>>, vector<32x2560xf32>
    %reduce_sum3A_79 = arith.constant dense<0.000000e+00> : vector<2560xf32>
    %reduce_sum3A_80 = vector.multi_reduction <add>, %get3A_78, %reduce_sum3A_79 [0] : vector<32x2560xf32> to vector<2560xf32>
    %broadcast_in_dim3A_81 = vector.shape_cast %reduce_sum3A_80 : vector<2560xf32> to vector<1x2560xf32>
    %get3A_82 = arith.constant 0 : index
    %get3A_83 = arith.constant 0 : index
    %get3A_84 = vector.load %arg16[%get3A_82, %get3A_83] : memref<32x2560xf32, #tpu.memory_space<vmem>>, vector<32x2560xf32>
    %reduce_sum3A_85 = arith.constant dense<0.000000e+00> : vector<2560xf32>
    %reduce_sum3A_86 = vector.multi_reduction <add>, %get3A_84, %reduce_sum3A_85 [0] : vector<32x2560xf32> to vector<2560xf32>
    %broadcast_in_dim3A_87 = vector.shape_cast %reduce_sum3A_86 : vector<2560xf32> to vector<1x2560xf32>
    %dot_general3A = arith.constant dense<0.000000e+00> : vector<2560x128xf32>
    %dot_general3A_88 = tpu.matmul %broadcast_in_dim3A_81, %broadcast_in_dim3A_52, %dot_general3A {dimension_numbers = #tpu.dot_dimension_numbers<[0], [0], [1], [1], [0, 1, 1, 1], [], []>, transpose_lhs_hint = false} : vector<1x2560xf32>, vector<1x128xf32>, vector<2560x128xf32> -> vector<2560x128xf32>
    %add3A_89 = vector.broadcast %add3A_44 : vector<1x128xf32> to vector<2560x128xf32>
    %add3A_90 = arith.addf %add3A_89, %dot_general3A_88 : vector<2560x128xf32>
    %max3A_91 = arith.constant 0.000000e+00 : f32
    %max3A_92 = vector.broadcast %max3A_91 : f32 to vector<2560x128xf32>
    %max3A_93 = arith.maximumf %add3A_90, %max3A_92 : vector<2560x128xf32>
    %swap3A = arith.constant 0 : index
    %swap3A_94 = arith.constant 0 : index
    %swap3A_95 = vector.load %arg18[%swap3A, %swap3A_94] : memref<2560x128xf32, #tpu.memory_space<vmem>>, vector<2560x128xf32>
    tpu.vector_store %arg18[%swap3A, %swap3A_94], %max3A_93 {strides = array<i32>} : memref<2560x128xf32, #tpu.memory_space<vmem>>, vector<2560x128xf32>,
    %dot_general3A_96 = arith.constant dense<0.000000e+00> : vector<2560x128xf32>
    %dot_general3A_97 = tpu.matmul %broadcast_in_dim3A_87, %broadcast_in_dim3A_75, %dot_general3A_96 {dimension_numbers = #tpu.dot_dimension_numbers<[0], [0], [1], [1], [0, 1, 1, 1], [], []>, transpose_lhs_hint = false} : vector<1x2560xf32>, vector<1x128xf32>, vector<2560x128xf32> -> vector<2560x128xf32>
    %add3A_98 = vector.broadcast %add3A_67 : vector<1x128xf32> to vector<2560x128xf32>
    %add3A_99 = arith.addf %add3A_98, %dot_general3A_97 : vector<2560x128xf32>
    %max3A_100 = arith.constant 0.000000e+00 : f32
    %max3A_101 = vector.broadcast %max3A_100 : f32 to vector<2560x128xf32>
    %max3A_102 = arith.maximumf %add3A_99, %max3A_101 : vector<2560x128xf32>
    %swap3A_103 = arith.constant 0 : index
    %swap3A_104 = arith.constant 0 : index
    %swap3A_105 = vector.load %arg17[%swap3A_103, %swap3A_104] : memref<2560x128xf32, #tpu.memory_space<vmem>>, vector<2560x128xf32>
    tpu.vector_store %arg17[%swap3A_103, %swap3A_104], %max3A_102 {strides = array<i32>} : memref<2560x128xf32, #tpu.memory_space<vmem>>, vector<2560x128xf32>,
    return
  }
  func.func @transform_0(%arg0: i32) -> (i32, i32) {
    %c0_i32 = arith.constant 0 : i32
    %c0_i32_0 = arith.constant 0 : i32
    %c0_i32_1 = arith.constant 0 : i32
    return %c0_i32, %c0_i32_0 : i32, i32
  }
  func.func @transform_1(%arg0: i32) -> (i32, i32) {
    %c0_i32 = arith.constant 0 : i32
    %c0_i32_0 = arith.constant 0 : i32
    %c0_i32_1 = arith.constant 0 : i32
    return %c0_i32, %c0_i32_0 : i32, i32
  }
  func.func @transform_2(%arg0: i32) -> (i32, i32) {
    %c0_i32 = arith.constant 0 : i32
    %c0_i32_0 = arith.constant 0 : i32
    %c0_i32_1 = arith.constant 0 : i32
    return %c0_i32, %c0_i32_0 : i32, i32
  }
  func.func @transform_3(%arg0: i32) -> (i32, i32) {
    %c0_i32 = arith.constant 0 : i32
    %c0_i32_0 = arith.constant 0 : i32
    %c0_i32_1 = arith.constant 0 : i32
    return %c0_i32, %c0_i32_0 : i32, i32
  }
  func.func @transform_4(%arg0: i32) -> (i32, i32) {
    %c0_i32 = arith.constant 0 : i32
    %c0_i32_0 = arith.constant 0 : i32
    %c0_i32_1 = arith.constant 0 : i32
    return %c0_i32, %c0_i32_0 : i32, i32
  }
  func.func @transform_5(%arg0: i32) -> (i32, i32) {
    %c0_i32 = arith.constant 0 : i32
    %c0_i32_0 = arith.constant 0 : i32
    %c0_i32_1 = arith.constant 0 : i32
    return %c0_i32, %c0_i32_0 : i32, i32
  }
  func.func @transform_6(%arg0: i32) -> (i32, i32) {
    %c0_i32 = arith.constant 0 : i32
    %c0_i32_0 = arith.constant 0 : i32
    %c0_i32_1 = arith.constant 0 : i32
    return %c0_i32, %c0_i32_0 : i32, i32
  }
  func.func @transform_7(%arg0: i32) -> (i32, i32) {
    %c0_i32 = arith.constant 0 : i32
    %c0_i32_0 = arith.constant 0 : i32
    %c0_i32_1 = arith.constant 0 : i32
    return %c0_i32, %c0_i32_0 : i32, i32
  }
  func.func @transform_8(%arg0: i32) -> (i32, i32) {
    %c0_i32 = arith.constant 0 : i32
    %c0_i32_0 = arith.constant 0 : i32
    %c0_i32_1 = arith.constant 0 : i32
    return %c0_i32, %c0_i32_0 : i32, i32
  }
  func.func @transform_9(%arg0: i32) -> (i32, i32) {
    %c0_i32 = arith.constant 0 : i32
    %c0_i32_0 = arith.constant 0 : i32
    %c0_i32_1 = arith.constant 0 : i32
    return %c0_i32, %c0_i32_0 : i32, i32
  }
  func.func @transform_10(%arg0: i32) -> (i32, i32) {
    %c0_i32 = arith.constant 0 : i32
    %c0_i32_0 = arith.constant 0 : i32
    %c0_i32_1 = arith.constant 0 : i32
    return %c0_i32, %c0_i32_0 : i32, i32
  }
  func.func @transform_11(%arg0: i32) -> (i32, i32) {
    %c0_i32 = arith.constant 0 : i32
    %c0_i32_0 = arith.constant 0 : i32
    %c0_i32_1 = arith.constant 0 : i32
    return %c0_i32, %c0_i32_0 : i32, i32
  }
  func.func @transform_12(%arg0: i32) -> (i32, i32) {
    %c0_i32 = arith.constant 0 : i32
    %c0_i32_0 = arith.constant 0 : i32
    %c0_i32_1 = arith.constant 0 : i32
    return %c0_i32, %c0_i32_0 : i32, i32
  }
  func.func @transform_13(%arg0: i32) -> (i32, i32) {
    %c0_i32 = arith.constant 0 : i32
    %c0_i32_0 = arith.constant 0 : i32
    %c0_i32_1 = arith.constant 0 : i32
    return %c0_i32, %c0_i32_0 : i32, i32
  }
  func.func @transform_14(%arg0: i32) -> (i32, i32) {
    %c0_i32 = arith.constant 0 : i32
    %c0_i32_0 = arith.constant 0 : i32
    return %c0_i32, %arg0 : i32, i32
  }
  func.func @transform_15(%arg0: i32) -> (i32, i32) {
    %c0_i32 = arith.constant 0 : i32
    %c0_i32_0 = arith.constant 0 : i32
    return %c0_i32, %arg0 : i32, i32
  }
  func.func @transform_16(%arg0: i32) -> (i32, i32) {
    %c0_i32 = arith.constant 0 : i32
    %c0_i32_0 = arith.constant 0 : i32
    return %arg0, %c0_i32 : i32, i32
  }
  func.func @transform_17(%arg0: i32) -> (i32, i32) {
    %c0_i32 = arith.constant 0 : i32
    %c0_i32_0 = arith.constant 0 : i32
    return %arg0, %c0_i32 : i32, i32
  }
}

</mosaic_0001>

<sc_bundles>
// kernel: kernel.4.cloned.1.call-start
scs
__scs_entry_jumppad:
0x0: {  	(pc) =	sbr.rel $0x88, $3  }
0x1: {  	(tag) =	ssettag $0x0;
	lr =	simm.s32 $0x1  }
0x2: {  	[smem:$0x3F95] =	sst lr;
	_ =	strace $0xD0000000  }
0x3: {  	_ = 	snop  }
0x4: {  	_ = 	snop  }
0x5: {  	_ = 	snop  }
0x6: {  	_ = 	snop  }
0x7: {  	_ = 	snop  }
__scs_overlays_trampoline_lowered:
0x8: {  	[smem:$0x3FA4] =	sst s0  }
0x9: {  	[smem:$0x3FA5] =	sst s1  }
0xa: {  	[smem:$0x3FA6] =	sst s2  }
0xb: {  	[smem:$0x3FA7] =	sst s3  }
0xc: {  	[smem:$0x3FA8] =	sst s4  }
0xd: {  	[smem:$0x3FA9] =	sst s5  }
0xe: {  	[smem:$0x3FAA] =	sst s6  }
0xf: {  	[smem:$0x3FAB] =	sst s7  }
0x10: {  	[smem:$0x3FAC] =	sst s8  }
0x11: {  	[smem:$0x3FAD] =	sst s9;
	s0 =	simm.s32 @!p0 $0x0  }
0x12: {  	s1 =	sld [smem:$0x3F93];
	s0 =	simm.s32 @p0 $0x1  }
0x13: {  	[smem:$0x3FAE] =	sst s0;
	s0 =	simm.s32 @!p1 $0x0  }
0x14: {  	s2 =	sld [smem:$0x3F92];
	s0 =	simm.s32 @p1 $0x1  }
0x15: {  	[smem:$0x3FAF] =	sst s0;
	s0 =	simm.s32 @!p2 $0x0  }
0x16: {  	s3 =	sld [smem:$0x3FDB];
	s0 =	simm.s32 @p2 $0x1  }
0x17: {  	s4 =	simm.s32 $0x1BF5;
	[smem:$0x3FB1] =	sst s0  }
0x18: {  	s0 =	sld [smem:$0x3F94];
	_ =	swait.ge [sflag:s4], $0x0  }
0x19: {  	s7 =	sld [smem:$0x3F95]  }
0x1a: {  	s8 =	sadd.s32 $0xFFFFE003, lr  }
0x1b: {  	s9 =	sadd.s32 $0xFFFFFEF7, lr;
	s5 =	simm.s32 $0xFFFFFFFF;
	p2 =	slt.u32 s8, $0xFFFFF086  }
0x1c: {  	p1 =	slt.u32 s9, $0xF7A;
	s5 =	simm.s32 @!p2 $0x0  }
0x1d: {  	s5 =	simm.s32 @p1 $0x1;
	p0 =	seq.s32 s7, s2  }
0x1e: {  	s7 =	smul.u32 @!p0 $0xF7A, s2;
	p2 =	seq.s32 @!p0 s5, $0x0  }
0x1f: {  	s9 =	smul.u32 $0xF7A, s1;
	s8 =	simm.s32 @!p0 $0x1BF5;
	p2 =	por !p2, p0  }
0x20: {  	[sflag:s8] =	ssyncset.s32 @!p0 $0xFFFFF086;
	s6 =	sadd.s32 @!p0 s3, s7;
	s7 =	simm.s32 @!p0 $0x108  }
0x21: {  	s3 =	sadd.s32 s3, s9;
	s6 =	sadd.s32 @!p0 $0x88, s6;
	s7 =	simm.s32 @p2 $0x1082  }
0x22: {  	[simem:s7], [sflag:s8] =	dma.local @!p0 [hbm:s6], $0xF7A  }
0x23: {  	s9 =	sor.u32 $0xD0000000, s2;
	s6 =	simm.s32 $0x108;
	_ =	swait.ge @!p0 [sflag:s8], $0x0  }
0x24: {  	s3 =	sadd.s32 $0x88, s3;
	s6 =	simm.s32 @!p1 $0x1082;
	[sflag:s4] =	ssyncset.s32 $0xFFFFF086  }
0x25: {  	[simem:s6], [sflag:s4] =	dma.local [hbm:s3], $0xF7A  }
0x26: {  	[smem:$0x3F95] =	sst s1;
	(tag) =	ssettag s2;
	_ =	strace s9  }
0x27: {  	s1 =	sld [smem:$0x3FA5]  }
0x28: {  	s2 =	sld [smem:$0x3FA6]  }
0x29: {  	s4 =	sld [smem:$0x3FA8]  }
0x2a: {  	p0 =	seq.s32 s5, $0x0;
	s5 =	sld [smem:$0x3FA9]  }
0x2b: {  	s6 =	sld [smem:$0x3FAA]  }
0x2c: {  	s7 =	sld [smem:$0x3FAB]  }
0x2d: {  	s3 =	simm.s32 $0x108;
	s8 =	sld [smem:$0x3FAC]  }
0x2e: {  	s3 =	simm.s32 @!p0 $0x1082;
	s9 =	sld [smem:$0x3FAD]  }
0x2f: {  	lr =	sadd.s32 s0, s3;
	s0 =	sld [smem:$0x3FA4]  }
0x30: {  	s3 =	sld [smem:$0x3FA7]  }
0x31: {  	[smem:$0x3FB0] =	sst s10  }
0x32: {  	s10 =	sld [smem:$0x3FAE];
	_ =	sdelay $0x3  }
0x33: {  	p0 =	seq.s32 s10, $0x1;
	s10 =	sld [smem:$0x3FB0];
	_ =	sdelay $0x3  }
0x34: {  	[smem:$0x3FB0] =	sst s10  }
0x35: {  	s10 =	sld [smem:$0x3FAF];
	_ =	sdelay $0x3  }
0x36: {  	p1 =	seq.s32 s10, $0x1;
	s10 =	sld [smem:$0x3FB0];
	_ =	sdelay $0x3  }
0x37: {  	[smem:$0x3FB0] =	sst s10  }
0x38: {  	s10 =	sld [smem:$0x3FB1]  }
0x39: {  	_ = 	snop;
	(pc) =	sbr.ind lr, $3  }
0x3a: {  	_ = 	snop  }
0x3b: {  	_ = 	snop  }
0x3c: {  	p2 =	seq.s32 s10, $0x1;
	s10 =	sld [smem:$0x3FB0]  }
0x3d: {  	_ =	shalt  }
0x3e: {  	_ =	shalt  }
0x3f: {  	_ =	shalt  }
0x40: {  	_ =	shalt  }
0x41: {  	_ =	shalt  }
0x42: {  	_ =	shalt  }
0x43: {  	_ =	shalt  }
0x44: {  	_ =	shalt  }
0x45: {  	_ =	shalt  }
0x46: {  	_ =	shalt  }
0x47: {  	_ =	shalt  }
0x48: {  	_ =	shalt  }
0x49: {  	_ =	shalt  }
0x4a: {  	_ =	shalt  }
0x4b: {  	_ =	shalt  }
0x4c: {  	_ =	shalt  }
0x4d: {  	_ =	shalt  }
0x4e: {  	_ =	shalt  }
0x4f: {  	_ =	shalt  }
0x50: {  	_ =	shalt  }
0x51: {  	_ =	shalt  }
0x52: {  	_ =	shalt  }
0x53: {  	_ =	shalt  }
0x54: {  	_ =	shalt  }
0x55: {  	_ =	shalt  }
0x56: {  	_ =	shalt  }
0x57: {  	_ =	shalt  }
0x58: {  	_ =	shalt  }
0x59: {  	_ =	shalt  }
0x5a: {  	_ =	shalt  }
0x5b: {  	_ =	shalt  }
0x5c: {  	_ =	shalt  }
0x5d: {  	_ =	shalt  }
0x5e: {  	_ =	shalt  }
0x5f: {  	_ =	shalt  }
0x60: {  	_ =	shalt  }
0x61: {  	_ =	shalt  }
0x62: {  	_ =	shalt  }
0x63: {  	_ =	shalt  }
0x64: {  	_ =	shalt  }
0x65: {  	_ =	shalt  }
0x66: {  	_ =	shalt  }
0x67: {  	_ =	shalt  }
0x68: {  	_ =	shalt  }
0x69: {  	_ =	shalt  }
0x6a: {  	_ =	shalt  }
0x6b: {  	_ =	shalt  }
0x6c: {  	_ =	shalt  }
0x6d: {  	_ =	shalt  }
0x6e: {  	_ =	shalt  }
0x6f: {  	_ =	shalt  }
0x70: {  	_ =	shalt  }
0x71: {  	_ =	shalt  }
0x72: {  	_ =	shalt  }
0x73: {  	_ =	shalt  }
0x74: {  	_ =	shalt  }
0x75: {  	_ =	shalt  }
0x76: {  	_ =	shalt  }
0x77: {  	_ =	shalt  }
0x78: {  	_ =	shalt  }
0x79: {  	_ =	shalt  }
0x7a: {  	_ =	shalt  }
0x7b: {  	_ =	shalt  }
0x7c: {  	_ =	shalt  }
0x7d: {  	_ =	shalt  }
0x7e: {  	_ =	shalt  }
0x7f: {  	_ =	shalt  }
0x80: {  	_ =	shalt  }
0x81: {  	_ =	shalt  }
0x82: {  	_ =	shalt  }
0x83: {  	_ =	shalt  }
0x84: {  	_ =	shalt  }
0x85: {  	_ =	shalt  }
0x86: {  	_ =	shalt  }
0x87: {  	_ =	shalt  }
.Lfunc_end0:
.L_simem_size_0:
called_computation_lowered:
.L_overlay_start_0:
0x88: {  	s2 =	sld [smem:$0x3FD9]  }
0x89: {  	s3 =	sld [smem:$0x3FFE];
	_ =	sdelay $0x1  }
0x8a: {  	s1 =	srdreg.scid  }
0x8b: {  	s0 =	sand.u32 $0x1, s1  }
0x8c: {  	s15 =	sshll.u32 s0, $0xA;
	s2 =	sadd.s32 s3, s2  }
0x8d: {  	s2 =	sadd.s32 s2, s15  }
0x8e: {  	[smem:$0x3FBC] =	sst s2  }
0x8f: {  	_ = 	snop  }
0x90: {  	s2 =	sld [smem:$0x3FD0];
	_ =	sdelay $0x1  }
0x91: {  	s16 =	sld [smem:$0x3FC9]  }
0x92: {  	s5 =	simm.s32 $0xA;
	s6 =	simm.s32 $0x10;
	s4 =	sld [smem:$0x3FC8]  }
0x93: {  	[smem:s6], [sflag:s5] =	dma.local [hbm:s2], $0x1  }
0x94: {  	_ =	swait.eq [sflag:s5], $0x1  }
0x95: {  	[sflag:s5] =	ssyncset.done $0x0  }
0x96: {  	s17 =	sld [smem:$0x10];
	[sflag:s5] =	ssyncadd.s32 $0xFFFFFFFF  }
0x97: {  	s18 =	sld [smem:$0x11];
	(tm) =	ssettm $0x1  }
0x98: {  	s19 =	sld [smem:$0x3FFB];
	_ =	sdelay $0x3  }
0x99: {  	_ =	strace s19  }
0x9a: {  	s6 =	sld [smem:$0x3FFC];
	_ =	sdelay $0x3  }
0x9b: {  	_ =	strace s6  }
0x9c: {  	s6 =	sld [smem:$0x3FFD];
	_ =	sdelay $0x3  }
0x9d: {  	_ =	strace s6  }
0x9e: {  	_ =	strace $0x8FFFFFFF  }
0x9f: {  	s20 =	sld [smem:$0x3FDB];
	_ =	sdelay $0x1  }
0xa0: {  	s7 =	simm.s32 $_scs_section_size  }
0xa1: {  	s8 =	simm.s32 $_size__tile_overlayer_lowered;
	s9 =	simm.s32 $_tile_overlayer_lowered  }
0xa2: {  	s23 =	simm.s32 $0x1BFF;
	s22 =	sshll.u32 s9, $0x1;
	s6 =	sadd.s32 s7, s20  }
0xa3: {  	s10 =	simm.s32 $0x0;
	s21 =	sshll.u32 s8, $0x1;
	s8 =	sadd.s32 s22, s6  }
0xa4: {  	[timem:s10], [sflag:s23] =	dma.local [hbm:s8], s21  }
0xa5: {  	_ =	swait.ge [sflag:s23], s21  }
0xa6: {  	s7 =	ssub.s32 $0x0, s21;
	[sflag:s23] =	ssyncset.done $0x0  }
0xa7: {  	[sflag:s23] =	ssyncadd.s32 s7;
	_ =	sdelay $0x1  }
0xa8: {  	s24 =	simm.s32 $0x1B8B  }
0xa9: {  	_ =	swait.ge [sflag:s24], $0x1  }
0xaa: {  	[sflag:s24] =	ssyncset.done $0x0  }
0xab: {  	s25 =	simm.s32 $0x1B8E;
	[sflag:s24] =	ssyncadd.s32 $0xFFFFFFFF  }
0xac: {  	s26 =	simm.s32 $execute0_lowered;
	[smem:$0x3FD2] =	sst s25  }
0xad: {  	s7 =	sshll.u32 s26, $0x1;
	_ =	strace $0x80000046;
	[dreg:$0x1] =	wrdreg $0xFFFFFFFF  }
0xae: {  	s28 =	simm.s32 $_size_execute0_lowered;
	s6 =	sadd.s32 s6, s7;
	[dreg:$0x0] =	wrdreg $0x0  }
0xaf: {  	s7 =	sshll.u32 s28, $0x1;
	[dreg:$0x2] =	wrdreg s6  }
0xb0: {  	[dreg:$0x3] =	wrdreg s7  }
0xb1: {  	[dreg:$0x4] =	wrdreg $0xC0  }
0xb2: {  	_ =	task [dreg:s10], $0x5FFFF  }
0xb3: {  	[dreg:$0x1] =	wrdreg $0xFFFFFFFF  }
0xb4: {  	[dreg:$0x0] =	wrdreg $0x60  }
0xb5: {  	[dreg:$0x2] =	wrdreg s16  }
0xb6: {  	[dreg:$0x3] =	wrdreg s4  }
0xb7: {  	[dreg:$0x4] =	wrdreg s18  }
0xb8: {  	[dreg:$0x5] =	wrdreg s17  }
0xb9: {  	[dreg:$0x6] =	wrdreg $0x9  }
0xba: {  	_ =	task.clear_ibuf [dreg:s10], $0x7FFFF;
	_ =	strace $0x90000046  }
0xbb: {  	s29 =	simm.s32 $0x9;
	_ =	strace $0x80000048  }
0xbc: {  	_ =	swait.ge [sflag:s29], $0x1  }
0xbd: {  	[sflag:s29] =	ssyncadd.s32 $0xFFFFFFFF  }
0xbe: {  	_ =	strace $0x90000048  }
0xbf: {  	_ =	sfence  }
0xc0: {  	s30 =	sld [smem:$0x0];
	_ =	sdelay $0x2  }
0xc1: {  	s31 =	sshll.u32 s1, $0xD;
	s1 =	sshrl.u32 s1, $0x2  }
0xc2: {  	s3 =	sand.u32 $0x4000, s31;
	s1 =	sadd.s32 s1, s30  }
0xc3: {  	s0 =	sor.u32 s3, s0;
	s1 =	sshll.u32 s1, $0x11  }
0xc4: {  	s0 =	sor.u32 s1, s0  }
0xc5: {  	s0 =	sadd.s32 $0x8F2B, s0  }
0xc6: {  	[sflag:s0] =	ssyncadd.remote.s32 $0x1  }
0xc7: {  	_ =	sfence.sel $0xFFFF  }
0xc8: {  	[dreg:$0x0] =	wrdreg $0xFFFFFFFF;
	(pc) =	sbr.abs _section_cstart, $3  }
0xc9: {  	[dreg:$0x1] =	wrdreg $0xFFFFFFFF  }
0xca: {  	_ =	task.clear_ibuf [dreg:s10], $0x2FFFF;
	_ =	strace $0x9FFFFFFF  }
0xcb: {  	(tm) =	ssettm $0x7FFFFFFF  }
tec
execute0_lowered:
.L_overlay_start_1:
0x0: {  	(tag) =	ssettag $0x1  }
0x1: {  	s6 =	rddreg [dreg:$0x0]  }
0x2: {  	s9 =	rddreg [dreg:$0x1]  }
0x3: {  	s1 =	rddreg [dreg:$0x2]  }
0x4: {  	s2 =	rddreg [dreg:$0x3]  }
0x5: {  	s0 =	rddreg [dreg:$0x4];
	s3 =	simm.s32 $0x0;
	s4 =	srdreg.scid  }
0x6: {  	s13 =	simm.s32 $0x4F00;
	s14 =	simm.s32 $0x2;
	s15 =	simm.s32 $0x80  }
0x7: {  	s16 =	simm.s32 $0x400;
	s17 =	simm.s32 $0x3;
	[smem:$0x7FF] =	sst s3  }
0x8: {  	s5 =	sand.u32 $0x1, s4;
	s4 =	stileid.u32;
	_ =	strace $0x80000047  }
0x9: {  	s7 =	ssub.s32 $0x2, s5;
	s10 =	smul.u32 $0x4E20, s4;
	s11 =	sshrl.u32 s4, $0x3  }
0xa: {  	s30 =	sshll.u32 s4, $0x7;
	p0 =	seq.s32 s5, $0x1;
	s29 =	smul.u32 $0x14000, s11  }
.Ltmp0:
0xb: {  	s8 =	sshrl.u32 s7, $0x1;
	s11 =	simm.s32 $0x2780;
	(pc) =	sbr.rel .LBB2_1-.Ltmp0, $4  }
0xc: {  	s12 =	ssub.s32 s7, s8;
	s10 =	sshrl.u32 s10, $0x3;
	s8 =	sand.u32 $0x380, s30  }
0xd: {  	s5 =	sadd.s32 s6, s10;
	s31 =	sadd.s32 $0x4E2, s10;
	s7 =	sor.u32 s8, s29  }
0xe: {  	s8 =	sadd.s32 s9, s10;
	s10 =	smax.u32 s12, $0x1;
	s12 =	simm.s32 $0x1  }
0xf: {  	v0 =	vimm.f32 $0.0e+00;
	v1 =	vimm.f32 $1.000000000e+00;
	s6 =	sadd.s32 s6, s31;
	s7 =	sshrl.u32 s7, $0x3;
	s9 =	sadd.s32 s9, s31  }
.LBB2_16:
0x10: {  	s3 =	sadd.s32 $0x1, s3  }
0x11: {  	p1 =	sne.s32 s3, s10  }
.Ltmp1:
0x12: {  	s18 =	sadd.s32 s18, s7;
	(pc) =	sbr.rel @!p1 .LBB2_17-.Ltmp1, $4  }
0x13: {  	[hbm4b:s18+s15] =	stream.strided.scatter [tilespmem:s13], [sflag:$0x3], $0x2800, s16, s15, $0x38;
	[tilespmem:$0x7700] =	vst v63  }
0x14: {  	_ =	swait.ge [sflag:s17], $0x2800  }
0x15: {  	[sflag:s17] =	ssyncset.done $0x0  }
0x16: {  	[sflag:s17] =	ssyncadd.s32 $0xFFFFD800  }
.LBB2_1:
.Ltmp2:
0x17: {  	(pc) =	sbr.rel @!p0 .LBB2_2-.Ltmp2, $2  }
0x18: {  	_ =	sdelay $0x2  }
0x19: {  	s18 =	simm.s32 $0x0  }
0x1a: {  	[tilespmem:s18], [sflag:$0x1] =	stream.linear.gather [hbm4b:s8+s18], $0x2710, $0x38;
	[tilespmem:$0x7700] =	vst v63  }
0x1b: {  	_ = 	snop  }
0x1c: {  	[tilespmem:s11], [sflag:$0x2] =	stream.linear.gather [hbm4b:s9+s18], $0x2710, $0x38;
	[tilespmem:$0x7700] =	vst v63  }
0x1d: {  	s19 =	simm.s32 $0x200;
	s18 =	simm.s32 $0x0  }
.LBB2_10:
0x1e: {  	p1 =	sne.s32 s19, $0x9E00;
	[tilespmem:s18+$0x4F70] =	vst v0  }
0x1f: {  	[tilespmem:s18+$0x4F00] =	vst v0  }
0x20: {  	[tilespmem:s18+$0x4F10] =	vst v0  }
.Ltmp3:
0x21: {  	[tilespmem:s18+$0x4F20] =	vst v0;
	(pc) =	sbr.rel @p1 .LBB2_10-.Ltmp3, $4  }
0x22: {  	[tilespmem:s18+$0x4F30] =	vst v0  }
0x23: {  	[tilespmem:s18+$0x4F40] =	vst v0  }
0x24: {  	[tilespmem:s18+$0x4F50] =	vst v0  }
0x25: {  	[tilespmem:s18+$0x4F60] =	vst v0;
	s18 =	sshra.s32 s19, $0x2;
	s19 =	sadd.s32 $0x200, s19  }
0x26: {  	[tilespmem:s18+$0x4F70] =	vst v0  }
0x27: {  	[tilespmem:s18+$0x4F00] =	vst v0  }
0x28: {  	[tilespmem:s18+$0x4F10] =	vst v0  }
0x29: {  	[tilespmem:s18+$0x4F20] =	vst v0  }
0x2a: {  	[tilespmem:s18+$0x4F30] =	vst v0  }
0x2b: {  	[tilespmem:s18+$0x4F40] =	vst v0  }
0x2c: {  	[tilespmem:s18+$0x4F50] =	vst v0  }
0x2d: {  	[tilespmem:s18+$0x4F60] =	vst v0  }
0x2e: {  	_ =	swait.ge [sflag:s12], $0x2710  }
0x2f: {  	[sflag:s12] =	ssyncset.done $0x0  }
0x30: {  	s18 =	simm.s32 $0x0;
	s19 =	simm.s32 $0xC0;
	[sflag:s12] =	ssyncadd.s32 $0xFFFFD8F0  }
.LBB2_12:
0x31: {  	v2 =	vld [tilespmem:s19+$0xFFFFFF40];
	_ =	sdelay $0x7  }
0x32: {  	[tilespmem:v2+s13+$0x0] =	vst.idx.add.f32.msk $0xffff, v1  }
0x33: {  	v2 =	vld [tilespmem:s19+$0xFFFFFF50];
	_ =	sdelay $0x7  }
0x34: {  	[tilespmem:v2+s13+$0x0] =	vst.idx.add.f32.msk $0xffff, v1  }
0x35: {  	v2 =	vld [tilespmem:s19+$0xFFFFFF60];
	_ =	sdelay $0x7  }
0x36: {  	[tilespmem:v2+s13+$0x0] =	vst.idx.add.f32.msk $0xffff, v1  }
0x37: {  	v2 =	vld [tilespmem:s19+$0xFFFFFF70];
	_ =	sdelay $0x7  }
0x38: {  	[tilespmem:v2+s13+$0x0] =	vst.idx.add.f32.msk $0xffff, v1  }
0x39: {  	v2 =	vld [tilespmem:s19+$0xFFFFFF80];
	_ =	sdelay $0x7  }
0x3a: {  	[tilespmem:v2+s13+$0x0] =	vst.idx.add.f32.msk $0xffff, v1  }
0x3b: {  	v2 =	vld [tilespmem:s19+$0xFFFFFF90];
	_ =	sdelay $0x7  }
0x3c: {  	[tilespmem:v2+s13+$0x0] =	vst.idx.add.f32.msk $0xffff, v1  }
0x3d: {  	v2 =	vld [tilespmem:s19+$0xFFFFFFA0];
	_ =	sdelay $0x7  }
0x3e: {  	[tilespmem:v2+s13+$0x0] =	vst.idx.add.f32.msk $0xffff, v1  }
0x3f: {  	v2 =	vld [tilespmem:s19+$0xFFFFFFB0];
	_ =	sdelay $0x7  }
0x40: {  	s20 =	sand.u32 $0x3FF0, s18;
	[tilespmem:v2+s13+$0x0] =	vst.idx.add.f32.msk $0xffff, v1  }
0x41: {  	v2 =	vld [tilespmem:s20+$0x80];
	_ =	sdelay $0x7  }
0x42: {  	[tilespmem:v2+s13+$0x0] =	vst.idx.add.f32.msk $0xffff, v1  }
0x43: {  	v2 =	vld [tilespmem:s19+$0xFFFFFFD0];
	_ =	sdelay $0x7  }
0x44: {  	[tilespmem:v2+s13+$0x0] =	vst.idx.add.f32.msk $0xffff, v1  }
0x45: {  	v2 =	vld [tilespmem:s19+$0xFFFFFFE0];
	_ =	sdelay $0x7  }
0x46: {  	[tilespmem:v2+s13+$0x0] =	vst.idx.add.f32.msk $0xffff, v1  }
0x47: {  	v2 =	vld [tilespmem:s19+$0xFFFFFFF0];
	_ =	sdelay $0x7  }
0x48: {  	[tilespmem:v2+s13+$0x0] =	vst.idx.add.f32.msk $0xffff, v1  }
0x49: {  	v2 =	vld [tilespmem:s19+$0x0];
	_ =	sdelay $0x7  }
0x4a: {  	[tilespmem:v2+s13+$0x0] =	vst.idx.add.f32.msk $0xffff, v1  }
0x4b: {  	v2 =	vld [tilespmem:s19+$0x10];
	_ =	sdelay $0x7  }
0x4c: {  	[tilespmem:v2+s13+$0x0] =	vst.idx.add.f32.msk $0xffff, v1  }
0x4d: {  	v2 =	vld [tilespmem:s19+$0x20];
	_ =	sdelay $0x7  }
0x4e: {  	[tilespmem:v2+s13+$0x0] =	vst.idx.add.f32.msk $0xffff, v1  }
0x4f: {  	v2 =	vld [tilespmem:s19+$0x30];
	_ =	sdelay $0x7  }
0x50: {  	[tilespmem:v2+s13+$0x0] =	vst.idx.add.f32.msk $0xffff, v1  }
0x51: {  	v2 =	vld [tilespmem:s20+$0x100];
	_ =	sdelay $0x7  }
0x52: {  	[tilespmem:v2+s13+$0x0] =	vst.idx.add.f32.msk $0xffff, v1  }
0x53: {  	v2 =	vld [tilespmem:s19+$0x50];
	_ =	sdelay $0x7  }
0x54: {  	[tilespmem:v2+s13+$0x0] =	vst.idx.add.f32.msk $0xffff, v1  }
0x55: {  	v2 =	vld [tilespmem:s19+$0x60];
	_ =	sdelay $0x7  }
0x56: {  	[tilespmem:v2+s13+$0x0] =	vst.idx.add.f32.msk $0xffff, v1  }
0x57: {  	v2 =	vld [tilespmem:s19+$0x70];
	_ =	sdelay $0x7  }
0x58: {  	[tilespmem:v2+s13+$0x0] =	vst.idx.add.f32.msk $0xffff, v1  }
0x59: {  	v2 =	vld [tilespmem:s19+$0x80];
	_ =	sdelay $0x7  }
0x5a: {  	[tilespmem:v2+s13+$0x0] =	vst.idx.add.f32.msk $0xffff, v1  }
0x5b: {  	v2 =	vld [tilespmem:s19+$0x90];
	_ =	sdelay $0x7  }
0x5c: {  	[tilespmem:v2+s13+$0x0] =	vst.idx.add.f32.msk $0xffff, v1  }
0x5d: {  	v2 =	vld [tilespmem:s19+$0xA0];
	_ =	sdelay $0x7  }
0x5e: {  	[tilespmem:v2+s13+$0x0] =	vst.idx.add.f32.msk $0xffff, v1  }
0x5f: {  	v2 =	vld [tilespmem:s19+$0xB0];
	_ =	sdelay $0x7  }
0x60: {  	[tilespmem:v2+s13+$0x0] =	vst.idx.add.f32.msk $0xffff, v1  }
0x61: {  	v2 =	vld [tilespmem:s20+$0x180];
	_ =	sdelay $0x2  }
0x62: {  	p1 =	sne.s32 s18, $0x2580  }
.Ltmp4:
0x63: {  	_ = 	snop;
	(pc) =	sbr.rel @p1 .LBB2_12-.Ltmp4, $2  }
0x64: {  	_ =	sdelay $0x2  }
0x65: {  	s18 =	sadd.s32 $0x190, s18;
	s19 =	sadd.s32 $0x190, s19;
	[tilespmem:v2+s13+$0x0] =	vst.idx.add.f32.msk $0xffff, v1  }
0x66: {  	_ =	swait.ge [sflag:s14], $0x2710  }
0x67: {  	[sflag:s14] =	ssyncset.done $0x0  }
0x68: {  	s18 =	simm.s32 $0x0;
	s19 =	simm.s32 $0x2840;
	[sflag:s14] =	ssyncadd.s32 $0xFFFFD8F0  }
.LBB2_14:
0x69: {  	v2 =	vld [tilespmem:s19+$0xFFFFFF40];
	_ =	sdelay $0x7  }
0x6a: {  	[tilespmem:v2+s13+$0x0] =	vst.idx.add.f32.msk $0xffff, v1  }
0x6b: {  	v2 =	vld [tilespmem:s19+$0xFFFFFF50];
	_ =	sdelay $0x7  }
0x6c: {  	[tilespmem:v2+s13+$0x0] =	vst.idx.add.f32.msk $0xffff, v1  }
0x6d: {  	v2 =	vld [tilespmem:s19+$0xFFFFFF60];
	_ =	sdelay $0x7  }
0x6e: {  	[tilespmem:v2+s13+$0x0] =	vst.idx.add.f32.msk $0xffff, v1  }
0x6f: {  	v2 =	vld [tilespmem:s19+$0xFFFFFF70];
	_ =	sdelay $0x7  }
0x70: {  	[tilespmem:v2+s13+$0x0] =	vst.idx.add.f32.msk $0xffff, v1  }
0x71: {  	v2 =	vld [tilespmem:s19+$0xFFFFFF80];
	_ =	sdelay $0x7  }
0x72: {  	[tilespmem:v2+s13+$0x0] =	vst.idx.add.f32.msk $0xffff, v1  }
0x73: {  	v2 =	vld [tilespmem:s19+$0xFFFFFF90];
	_ =	sdelay $0x7  }
0x74: {  	[tilespmem:v2+s13+$0x0] =	vst.idx.add.f32.msk $0xffff, v1  }
0x75: {  	v2 =	vld [tilespmem:s19+$0xFFFFFFA0];
	_ =	sdelay $0x7  }
0x76: {  	[tilespmem:v2+s13+$0x0] =	vst.idx.add.f32.msk $0xffff, v1  }
0x77: {  	v2 =	vld [tilespmem:s19+$0xFFFFFFB0];
	_ =	sdelay $0x7  }
0x78: {  	s20 =	sand.u32 $0x3FF0, s18;
	[tilespmem:v2+s13+$0x0] =	vst.idx.add.f32.msk $0xffff, v1  }
0x79: {  	v2 =	vld [tilespmem:s20+$0x2800];
	_ =	sdelay $0x7  }
0x7a: {  	[tilespmem:v2+s13+$0x0] =	vst.idx.add.f32.msk $0xffff, v1  }
0x7b: {  	v2 =	vld [tilespmem:s19+$0xFFFFFFD0];
	_ =	sdelay $0x7  }
0x7c: {  	[tilespmem:v2+s13+$0x0] =	vst.idx.add.f32.msk $0xffff, v1  }
0x7d: {  	v2 =	vld [tilespmem:s19+$0xFFFFFFE0];
	_ =	sdelay $0x7  }
0x7e: {  	[tilespmem:v2+s13+$0x0] =	vst.idx.add.f32.msk $0xffff, v1  }
0x7f: {  	v2 =	vld [tilespmem:s19+$0xFFFFFFF0];
	_ =	sdelay $0x7  }
0x80: {  	[tilespmem:v2+s13+$0x0] =	vst.idx.add.f32.msk $0xffff, v1  }
0x81: {  	v2 =	vld [tilespmem:s19+$0x0];
	_ =	sdelay $0x7  }
0x82: {  	[tilespmem:v2+s13+$0x0] =	vst.idx.add.f32.msk $0xffff, v1  }
0x83: {  	v2 =	vld [tilespmem:s19+$0x10];
	_ =	sdelay $0x7  }
0x84: {  	[tilespmem:v2+s13+$0x0] =	vst.idx.add.f32.msk $0xffff, v1  }
0x85: {  	v2 =	vld [tilespmem:s19+$0x20];
	_ =	sdelay $0x7  }
0x86: {  	[tilespmem:v2+s13+$0x0] =	vst.idx.add.f32.msk $0xffff, v1  }
0x87: {  	v2 =	vld [tilespmem:s19+$0x30];
	_ =	sdelay $0x7  }
0x88: {  	[tilespmem:v2+s13+$0x0] =	vst.idx.add.f32.msk $0xffff, v1  }
0x89: {  	v2 =	vld [tilespmem:s20+$0x2880];
	_ =	sdelay $0x7  }
0x8a: {  	[tilespmem:v2+s13+$0x0] =	vst.idx.add.f32.msk $0xffff, v1  }
0x8b: {  	v2 =	vld [tilespmem:s19+$0x50];
	_ =	sdelay $0x7  }
0x8c: {  	[tilespmem:v2+s13+$0x0] =	vst.idx.add.f32.msk $0xffff, v1  }
0x8d: {  	v2 =	vld [tilespmem:s19+$0x60];
	_ =	sdelay $0x7  }
0x8e: {  	[tilespmem:v2+s13+$0x0] =	vst.idx.add.f32.msk $0xffff, v1  }
0x8f: {  	v2 =	vld [tilespmem:s19+$0x70];
	_ =	sdelay $0x7  }
0x90: {  	[tilespmem:v2+s13+$0x0] =	vst.idx.add.f32.msk $0xffff, v1  }
0x91: {  	v2 =	vld [tilespmem:s19+$0x80];
	_ =	sdelay $0x7  }
0x92: {  	[tilespmem:v2+s13+$0x0] =	vst.idx.add.f32.msk $0xffff, v1  }
0x93: {  	v2 =	vld [tilespmem:s19+$0x90];
	_ =	sdelay $0x7  }
0x94: {  	[tilespmem:v2+s13+$0x0] =	vst.idx.add.f32.msk $0xffff, v1  }
0x95: {  	v2 =	vld [tilespmem:s19+$0xA0];
	_ =	sdelay $0x7  }
0x96: {  	[tilespmem:v2+s13+$0x0] =	vst.idx.add.f32.msk $0xffff, v1  }
0x97: {  	v2 =	vld [tilespmem:s19+$0xB0];
	_ =	sdelay $0x7  }
0x98: {  	[tilespmem:v2+s13+$0x0] =	vst.idx.add.f32.msk $0xffff, v1  }
0x99: {  	v2 =	vld [tilespmem:s20+$0x2900];
	_ =	sdelay $0x2  }
0x9a: {  	p1 =	sne.s32 s18, $0x2580  }
.Ltmp5:
0x9b: {  	_ = 	snop;
	(pc) =	sbr.rel @p1 .LBB2_14-.Ltmp5, $2  }
0x9c: {  	_ =	sdelay $0x2  }
0x9d: {  	s18 =	sadd.s32 $0x190, s18;
	s19 =	sadd.s32 $0x190, s19;
	[tilespmem:v2+s13+$0x0] =	vst.idx.add.f32.msk $0xffff, v1  }
.Ltmp6:
0x9e: {  	(pc) =	sbr.rel .LBB2_16-.Ltmp6, $2  }
0x9f: {  	_ =	sdelay $0x2  }
0xa0: {  	s18 =	smov.u32 s2  }
.LBB2_2:
0xa1: {  	[tilespmem:s18], [sflag:$0x1] =	stream.linear.gather [hbm4b:s5+s18], $0x2710, $0x38;
	[tilespmem:$0x7700] =	vst v63  }
0xa2: {  	_ = 	snop  }
0xa3: {  	[tilespmem:s11], [sflag:$0x2] =	stream.linear.gather [hbm4b:s6+s18], $0x2710, $0x38;
	[tilespmem:$0x7700] =	vst v63  }
0xa4: {  	s19 =	simm.s32 $0x200;
	s18 =	simm.s32 $0x0  }
.LBB2_3:
0xa5: {  	p1 =	sne.s32 s19, $0x9E00;
	[tilespmem:s18+$0x4F70] =	vst v0  }
0xa6: {  	[tilespmem:s18+$0x4F00] =	vst v0  }
0xa7: {  	[tilespmem:s18+$0x4F10] =	vst v0  }
.Ltmp7:
0xa8: {  	[tilespmem:s18+$0x4F20] =	vst v0;
	(pc) =	sbr.rel @p1 .LBB2_3-.Ltmp7, $4  }
0xa9: {  	[tilespmem:s18+$0x4F30] =	vst v0  }
0xaa: {  	[tilespmem:s18+$0x4F40] =	vst v0  }
0xab: {  	[tilespmem:s18+$0x4F50] =	vst v0  }
0xac: {  	[tilespmem:s18+$0x4F60] =	vst v0;
	s18 =	sshra.s32 s19, $0x2;
	s19 =	sadd.s32 $0x200, s19  }
0xad: {  	[tilespmem:s18+$0x4F70] =	vst v0  }
0xae: {  	[tilespmem:s18+$0x4F00] =	vst v0  }
0xaf: {  	[tilespmem:s18+$0x4F10] =	vst v0  }
0xb0: {  	[tilespmem:s18+$0x4F20] =	vst v0  }
0xb1: {  	[tilespmem:s18+$0x4F30] =	vst v0  }
0xb2: {  	[tilespmem:s18+$0x4F40] =	vst v0  }
0xb3: {  	[tilespmem:s18+$0x4F50] =	vst v0  }
0xb4: {  	[tilespmem:s18+$0x4F60] =	vst v0  }
0xb5: {  	_ =	swait.ge [sflag:s12], $0x2710  }
0xb6: {  	[sflag:s12] =	ssyncset.done $0x0  }
0xb7: {  	s18 =	simm.s32 $0x0;
	s19 =	simm.s32 $0xC0;
	[sflag:s12] =	ssyncadd.s32 $0xFFFFD8F0  }
.LBB2_5:
0xb8: {  	v2 =	vld [tilespmem:s19+$0xFFFFFF40];
	_ =	sdelay $0x7  }
0xb9: {  	[tilespmem:v2+s13+$0x0] =	vst.idx.add.f32.msk $0xffff, v1  }
0xba: {  	v2 =	vld [tilespmem:s19+$0xFFFFFF50];
	_ =	sdelay $0x7  }
0xbb: {  	[tilespmem:v2+s13+$0x0] =	vst.idx.add.f32.msk $0xffff, v1  }
0xbc: {  	v2 =	vld [tilespmem:s19+$0xFFFFFF60];
	_ =	sdelay $0x7  }
0xbd: {  	[tilespmem:v2+s13+$0x0] =	vst.idx.add.f32.msk $0xffff, v1  }
0xbe: {  	v2 =	vld [tilespmem:s19+$0xFFFFFF70];
	_ =	sdelay $0x7  }
0xbf: {  	[tilespmem:v2+s13+$0x0] =	vst.idx.add.f32.msk $0xffff, v1  }
0xc0: {  	v2 =	vld [tilespmem:s19+$0xFFFFFF80];
	_ =	sdelay $0x7  }
0xc1: {  	[tilespmem:v2+s13+$0x0] =	vst.idx.add.f32.msk $0xffff, v1  }
0xc2: {  	v2 =	vld [tilespmem:s19+$0xFFFFFF90];
	_ =	sdelay $0x7  }
0xc3: {  	[tilespmem:v2+s13+$0x0] =	vst.idx.add.f32.msk $0xffff, v1  }
0xc4: {  	v2 =	vld [tilespmem:s19+$0xFFFFFFA0];
	_ =	sdelay $0x7  }
0xc5: {  	[tilespmem:v2+s13+$0x0] =	vst.idx.add.f32.msk $0xffff, v1  }
0xc6: {  	v2 =	vld [tilespmem:s19+$0xFFFFFFB0];
	_ =	sdelay $0x7  }
0xc7: {  	s20 =	sand.u32 $0x3FF0, s18;
	[tilespmem:v2+s13+$0x0] =	vst.idx.add.f32.msk $0xffff, v1  }
0xc8: {  	v2 =	vld [tilespmem:s20+$0x80];
	_ =	sdelay $0x7  }
0xc9: {  	[tilespmem:v2+s13+$0x0] =	vst.idx.add.f32.msk $0xffff, v1  }
0xca: {  	v2 =	vld [tilespmem:s19+$0xFFFFFFD0];
	_ =	sdelay $0x7  }
0xcb: {  	[tilespmem:v2+s13+$0x0] =	vst.idx.add.f32.msk $0xffff, v1  }
0xcc: {  	v2 =	vld [tilespmem:s19+$0xFFFFFFE0];
	_ =	sdelay $0x7  }
0xcd: {  	[tilespmem:v2+s13+$0x0] =	vst.idx.add.f32.msk $0xffff, v1  }
0xce: {  	v2 =	vld [tilespmem:s19+$0xFFFFFFF0];
	_ =	sdelay $0x7  }
0xcf: {  	[tilespmem:v2+s13+$0x0] =	vst.idx.add.f32.msk $0xffff, v1  }
0xd0: {  	v2 =	vld [tilespmem:s19+$0x0];
	_ =	sdelay $0x7  }
0xd1: {  	[tilespmem:v2+s13+$0x0] =	vst.idx.add.f32.msk $0xffff, v1  }
0xd2: {  	v2 =	vld [tilespmem:s19+$0x10];
	_ =	sdelay $0x7  }
0xd3: {  	[tilespmem:v2+s13+$0x0] =	vst.idx.add.f32.msk $0xffff, v1  }
0xd4: {  	v2 =	vld [tilespmem:s19+$0x20];
	_ =	sdelay $0x7  }
0xd5: {  	[tilespmem:v2+s13+$0x0] =	vst.idx.add.f32.msk $0xffff, v1  }
0xd6: {  	v2 =	vld [tilespmem:s19+$0x30];
	_ =	sdelay $0x7  }
0xd7: {  	[tilespmem:v2+s13+$0x0] =	vst.idx.add.f32.msk $0xffff, v1  }
0xd8: {  	v2 =	vld [tilespmem:s20+$0x100];
	_ =	sdelay $0x7  }
0xd9: {  	[tilespmem:v2+s13+$0x0] =	vst.idx.add.f32.msk $0xffff, v1  }
0xda: {  	v2 =	vld [tilespmem:s19+$0x50];
	_ =	sdelay $0x7  }
0xdb: {  	[tilespmem:v2+s13+$0x0] =	vst.idx.add.f32.msk $0xffff, v1  }
0xdc: {  	v2 =	vld [tilespmem:s19+$0x60];
	_ =	sdelay $0x7  }
0xdd: {  	[tilespmem:v2+s13+$0x0] =	vst.idx.add.f32.msk $0xffff, v1  }
0xde: {  	v2 =	vld [tilespmem:s19+$0x70];
	_ =	sdelay $0x7  }
0xdf: {  	[tilespmem:v2+s13+$0x0] =	vst.idx.add.f32.msk $0xffff, v1  }
0xe0: {  	v2 =	vld [tilespmem:s19+$0x80];
	_ =	sdelay $0x7  }
0xe1: {  	[tilespmem:v2+s13+$0x0] =	vst.idx.add.f32.msk $0xffff, v1  }
0xe2: {  	v2 =	vld [tilespmem:s19+$0x90];
	_ =	sdelay $0x7  }
0xe3: {  	[tilespmem:v2+s13+$0x0] =	vst.idx.add.f32.msk $0xffff, v1  }
0xe4: {  	v2 =	vld [tilespmem:s19+$0xA0];
	_ =	sdelay $0x7  }
0xe5: {  	[tilespmem:v2+s13+$0x0] =	vst.idx.add.f32.msk $0xffff, v1  }
0xe6: {  	v2 =	vld [tilespmem:s19+$0xB0];
	_ =	sdelay $0x7  }
0xe7: {  	[tilespmem:v2+s13+$0x0] =	vst.idx.add.f32.msk $0xffff, v1  }
0xe8: {  	v2 =	vld [tilespmem:s20+$0x180];
	_ =	sdelay $0x2  }
0xe9: {  	p1 =	sne.s32 s18, $0x2580  }
.Ltmp8:
0xea: {  	_ = 	snop;
	(pc) =	sbr.rel @p1 .LBB2_5-.Ltmp8, $2  }
0xeb: {  	_ =	sdelay $0x2  }
0xec: {  	s18 =	sadd.s32 $0x190, s18;
	s19 =	sadd.s32 $0x190, s19;
	[tilespmem:v2+s13+$0x0] =	vst.idx.add.f32.msk $0xffff, v1  }
0xed: {  	_ =	swait.ge [sflag:s14], $0x2710  }
0xee: {  	[sflag:s14] =	ssyncset.done $0x0  }
0xef: {  	s18 =	simm.s32 $0x0;
	s19 =	simm.s32 $0x2840;
	[sflag:s14] =	ssyncadd.s32 $0xFFFFD8F0  }
.LBB2_7:
0xf0: {  	v2 =	vld [tilespmem:s19+$0xFFFFFF40];
	_ =	sdelay $0x7  }
0xf1: {  	[tilespmem:v2+s13+$0x0] =	vst.idx.add.f32.msk $0xffff, v1  }
0xf2: {  	v2 =	vld [tilespmem:s19+$0xFFFFFF50];
	_ =	sdelay $0x7  }
0xf3: {  	[tilespmem:v2+s13+$0x0] =	vst.idx.add.f32.msk $0xffff, v1  }
0xf4: {  	v2 =	vld [tilespmem:s19+$0xFFFFFF60];
	_ =	sdelay $0x7  }
0xf5: {  	[tilespmem:v2+s13+$0x0] =	vst.idx.add.f32.msk $0xffff, v1  }
0xf6: {  	v2 =	vld [tilespmem:s19+$0xFFFFFF70];
	_ =	sdelay $0x7  }
0xf7: {  	[tilespmem:v2+s13+$0x0] =	vst.idx.add.f32.msk $0xffff, v1  }
0xf8: {  	v2 =	vld [tilespmem:s19+$0xFFFFFF80];
	_ =	sdelay $0x7  }
0xf9: {  	[tilespmem:v2+s13+$0x0] =	vst.idx.add.f32.msk $0xffff, v1  }
0xfa: {  	v2 =	vld [tilespmem:s19+$0xFFFFFF90];
	_ =	sdelay $0x7  }
0xfb: {  	[tilespmem:v2+s13+$0x0] =	vst.idx.add.f32.msk $0xffff, v1  }
0xfc: {  	v2 =	vld [tilespmem:s19+$0xFFFFFFA0];
	_ =	sdelay $0x7  }
0xfd: {  	[tilespmem:v2+s13+$0x0] =	vst.idx.add.f32.msk $0xffff, v1  }
0xfe: {  	v2 =	vld [tilespmem:s19+$0xFFFFFFB0];
	_ =	sdelay $0x7  }
0xff: {  	s20 =	sand.u32 $0x3FF0, s18;
	[tilespmem:v2+s13+$0x0] =	vst.idx.add.f32.msk $0xffff, v1  }
0x100: {  	v2 =	vld [tilespmem:s20+$0x2800];
	_ =	sdelay $0x7  }
0x101: {  	[tilespmem:v2+s13+$0x0] =	vst.idx.add.f32.msk $0xffff, v1  }
0x102: {  	v2 =	vld [tilespmem:s19+$0xFFFFFFD0];
	_ =	sdelay $0x7  }
0x103: {  	[tilespmem:v2+s13+$0x0] =	vst.idx.add.f32.msk $0xffff, v1  }
0x104: {  	v2 =	vld [tilespmem:s19+$0xFFFFFFE0];
	_ =	sdelay $0x7  }
0x105: {  	[tilespmem:v2+s13+$0x0] =	vst.idx.add.f32.msk $0xffff, v1  }
0x106: {  	v2 =	vld [tilespmem:s19+$0xFFFFFFF0];
	_ =	sdelay $0x7  }
0x107: {  	[tilespmem:v2+s13+$0x0] =	vst.idx.add.f32.msk $0xffff, v1  }
0x108: {  	v2 =	vld [tilespmem:s19+$0x0];
	_ =	sdelay $0x7  }
0x109: {  	[tilespmem:v2+s13+$0x0] =	vst.idx.add.f32.msk $0xffff, v1  }
0x10a: {  	v2 =	vld [tilespmem:s19+$0x10];
	_ =	sdelay $0x7  }
0x10b: {  	[tilespmem:v2+s13+$0x0] =	vst.idx.add.f32.msk $0xffff, v1  }
0x10c: {  	v2 =	vld [tilespmem:s19+$0x20];
	_ =	sdelay $0x7  }
0x10d: {  	[tilespmem:v2+s13+$0x0] =	vst.idx.add.f32.msk $0xffff, v1  }
0x10e: {  	v2 =	vld [tilespmem:s19+$0x30];
	_ =	sdelay $0x7  }
0x10f: {  	[tilespmem:v2+s13+$0x0] =	vst.idx.add.f32.msk $0xffff, v1  }
0x110: {  	v2 =	vld [tilespmem:s20+$0x2880];
	_ =	sdelay $0x7  }
0x111: {  	[tilespmem:v2+s13+$0x0] =	vst.idx.add.f32.msk $0xffff, v1  }
0x112: {  	v2 =	vld [tilespmem:s19+$0x50];
	_ =	sdelay $0x7  }
0x113: {  	[tilespmem:v2+s13+$0x0] =	vst.idx.add.f32.msk $0xffff, v1  }
0x114: {  	v2 =	vld [tilespmem:s19+$0x60];
	_ =	sdelay $0x7  }
0x115: {  	[tilespmem:v2+s13+$0x0] =	vst.idx.add.f32.msk $0xffff, v1  }
0x116: {  	v2 =	vld [tilespmem:s19+$0x70];
	_ =	sdelay $0x7  }
0x117: {  	[tilespmem:v2+s13+$0x0] =	vst.idx.add.f32.msk $0xffff, v1  }
0x118: {  	v2 =	vld [tilespmem:s19+$0x80];
	_ =	sdelay $0x7  }
0x119: {  	[tilespmem:v2+s13+$0x0] =	vst.idx.add.f32.msk $0xffff, v1  }
0x11a: {  	v2 =	vld [tilespmem:s19+$0x90];
	_ =	sdelay $0x7  }
0x11b: {  	[tilespmem:v2+s13+$0x0] =	vst.idx.add.f32.msk $0xffff, v1  }
0x11c: {  	v2 =	vld [tilespmem:s19+$0xA0];
	_ =	sdelay $0x7  }
0x11d: {  	[tilespmem:v2+s13+$0x0] =	vst.idx.add.f32.msk $0xffff, v1  }
0x11e: {  	v2 =	vld [tilespmem:s19+$0xB0];
	_ =	sdelay $0x7  }
0x11f: {  	[tilespmem:v2+s13+$0x0] =	vst.idx.add.f32.msk $0xffff, v1  }
0x120: {  	v2 =	vld [tilespmem:s20+$0x2900];
	_ =	sdelay $0x2  }
0x121: {  	p1 =	seq.s32 s18, $0x2580  }
.Ltmp9:
0x122: {  	_ = 	snop;
	(pc) =	sbr.rel @!p1 .LBB2_7-.Ltmp9, $2  }
0x123: {  	_ =	sdelay $0x2  }
0x124: {  	s18 =	sadd.s32 $0x190, s18;
	s19 =	sadd.s32 $0x190, s19;
	[tilespmem:v2+s13+$0x0] =	vst.idx.add.f32.msk $0xffff, v1  }
.Ltmp10:
0x125: {  	(pc) =	sbr.rel .LBB2_16-.Ltmp10, $2  }
0x126: {  	_ =	sdelay $0x2  }
0x127: {  	s18 =	smov.u32 s1  }
.LBB2_17:
0x128: {  	_ =	sfence.sel $0x180000  }
0x129: {  	[bflag:$0x0] =	sbarrier.arrive $0xFFFF  }
0x12a: {  	p0 =	sne.s32 s4, $0x0;
	_ =	strace $0x90000047  }
0x12b: {  	s0 =	sadd.s32 @!p0 $0x100000, s0;
	[bflag:$0x2] =	sbarrier.arrive $0xFFFF  }
0x12c: {  	[sflag:s0] =	ssyncadd.tile.s32 @!p0 $0x1;
	_ =	shalt  }
.Lfunc_end2:
_tile_overlayer_lowered:
.L_overlay_start_2:
0x12d: {  	(tag) =	ssettag $0x2  }
0x12e: {  	s0 =	rddreg [dreg:$0x0];
	s2 =	stileid.u32  }
0x12f: {  	s1 =	rddreg [dreg:$0x1];
	p0 =	sne.s32 s2, $0x0  }
0x130: {  	s3 =	rddreg [dreg:$0x2];
	[bflag:$0x3] =	sbarrier.arrive $0xFFFF;
	s2 =	simm.s32 @!p0 $0x1C03  }
0x131: {  	[timem:s3], [sflag:s2] =	dma.local @!p0 [hbm:s0], s1  }
0x132: {  	s0 =	simm.s32 @!p0 $0x3  }
0x133: {  	_ =	swait.ge @!p0 [sflag:s0], s1  }
0x134: {  	s1 =	ssub.s32 @!p0 $0x0, s1;
	[sflag:s0] =	ssyncset.done @!p0 $0x0  }
0x135: {  	[sflag:s0] =	ssyncadd.s32 @!p0 s1  }
0x136: {  	[bflag:$0x3] =	sbarrier.arrive $0xFFFF  }
0x137: {  	_ =	shalt  }

</sc_bundles>
